<compile_context>
chip_gen: v7x
topology: tpu7x:2x2x1
jax: 0.10.2.dev20260603
libtpu: 0.0.44.dev20260713+nightly
codegen_flags: <defaults>
</compile_context>

<pallas_src>
import functools

import jax
import jax.numpy as jnp
from jax import lax
from jax.experimental import pallas as pl
from jax.experimental.pallas import tpu as pltpu
from jax.experimental.pallas import tpu_sc as plsc

N_NODE = 10000
N_RAD = 6
N_L = 10
N_C = 16
N_OUT = 4

SC_RAD = 1
TC_RAD = N_RAD - SC_RAD
CHN = 128
SC_CORES = 2
NUM_WORKERS = SC_CORES * 16
JGROUPS = CHN // 16
JSHIFT = JGROUPS.bit_length() - 1
FULL_CHUNKS = N_NODE // CHN
TAIL0 = FULL_CHUNKS * CHN
TAIL = N_NODE - TAIL0
TC_BN = 1024


def _poly(a):
    s1 = a[1] * a[1]
    s2 = a[2] * a[2]
    s3 = a[3] * a[3]
    s4 = a[4] * a[4]
    s5 = a[5] * a[5]
    s6 = a[6] * a[6]
    s7 = a[7] * a[7]
    s8 = a[8] * a[8]
    s9 = a[9] * a[9]
    out1 = s1 + s2 + s3
    out2 = (s4 + s7 + s9) + 2.0 * (s5 + s6 + s8)
    cubes = a[4] * s4 + a[7] * s7 + a[9] * s9
    mixed = a[4] * (s5 + s6) + a[7] * (s5 + s8) + a[9] * (s6 + s8)
    triple = a[5] * a[6] * a[8]
    out3 = cubes + 3.0 * mixed + 6.0 * triple
    return a[0], out1, out2, out3



def _tc_body(x_ref, o_ref):
    a = [x_ref[:, l] for l in range(N_L)]
    o0, o1, o2, o3 = _poly(a)
    o_ref[:, 0] = o0
    o_ref[:, 1] = o1
    o_ref[:, 2] = o2
    o_ref[:, 3] = o3


if TC_RAD:
    _tc_call = pl.pallas_call(
        _tc_body,
        grid=((N_NODE + TC_BN - 1) // TC_BN,),
        in_specs=[
            pl.BlockSpec((TC_RAD, N_L, N_C, TC_BN), lambda i: (0, 0, 0, i)),
        ],
        out_specs=pl.BlockSpec((TC_RAD, N_OUT, N_C, TC_BN), lambda i: (0, 0, 0, i)),
        out_shape=jax.ShapeDtypeStruct(
            (N_RAD if SC_RAD else TC_RAD, N_OUT, N_C, N_NODE), jnp.float32
        ),
    )



def _sc_group_loop(xv, ov, ngroups, jgroups, jshift):
    @plsc.parallel_loop(0, ngroups, unroll=2)
    def group_body(m):
        if jgroups == 1:
            c = m
            j = 0
        else:
            c = m >> jshift
            j = (m & (jgroups - 1)) * 16
        a = [xv[l, c, pl.ds(j, 16)] for l in range(N_L)]
        o0, o1, o2, o3 = _poly(a)
        ov[0, c, pl.ds(j, 16)] = o0
        ov[1, c, pl.ds(j, 16)] = o1
        ov[2, c, pl.ds(j, 16)] = o2
        ov[3, c, pl.ds(j, 16)] = o3


def _sc_body(x_hbm, o_hbm, xv, ov, xt_v, ot_v):
    wid = lax.axis_index("s") * SC_CORES + lax.axis_index("c")
    units = SC_RAD * FULL_CHUNKS
    my_units = (units - wid + NUM_WORKERS - 1) // NUM_WORKERS

    def unit_body(u, carry):
        unit = wid + u * NUM_WORKERS
        rr = unit // FULL_CHUNKS
        n0 = (unit % FULL_CHUNKS) * CHN
        pltpu.sync_copy(x_hbm.at[TC_RAD + rr, :, :, pl.ds(n0, CHN)], xv)
        _sc_group_loop(xv, ov, N_C * JGROUPS, JGROUPS, JSHIFT)
        pltpu.sync_copy(ov, o_hbm.at[rr, :, :, pl.ds(n0, CHN)])
        return carry

    lax.fori_loop(0, my_units, unit_body, 0)

    @pl.when(wid < SC_RAD)
    def _tail():
        pltpu.sync_copy(x_hbm.at[TC_RAD + wid, :, :, pl.ds(TAIL0, TAIL)], xt_v)
        _sc_group_loop(xt_v, ot_v, N_C, 1, 0)
        pltpu.sync_copy(ot_v, o_hbm.at[wid, :, :, pl.ds(TAIL0, TAIL)])


if SC_RAD:
    _sc_call = functools.partial(
        pl.kernel,
        out_type=jax.ShapeDtypeStruct((SC_RAD, N_OUT, N_C, N_NODE), jnp.float32),
        mesh=plsc.VectorSubcoreMesh(core_axis_name="c", subcore_axis_name="s", num_cores=SC_CORES),
        scratch_types=[
            pltpu.VMEM((N_L, N_C, CHN), jnp.float32),
            pltpu.VMEM((N_OUT, N_C, CHN), jnp.float32),
            pltpu.VMEM((N_L, N_C, TAIL), jnp.float32),
            pltpu.VMEM((N_OUT, N_C, TAIL), jnp.float32),
        ],
    )(_sc_body)


@jax.jit
def kernel(node_attr):
    xt = jnp.transpose(node_attr, (1, 2, 3, 0))
    if TC_RAD and SC_RAD:
        tc_out = _tc_call(xt)
        sc_out = _sc_call(xt)
        yt = lax.dynamic_update_slice(tc_out, sc_out, (TC_RAD, 0, 0, 0))
    elif TC_RAD:
        yt = _tc_call(xt)
    else:
        yt = _sc_call(xt)
    return jnp.transpose(yt, (3, 0, 1, 2))

# --- scband reference (transcript-rebuilt; emitter-appended) ---
"""Pipeline reference for scband-symmetrizer-vectorized-2843268350084 (READ-ONLY COPY).

The authoritative reference and input builder live on the scoring server;
editing this copy changes nothing except your own understanding.
"""

import jax, jax.numpy as jnp
import numpy as np
import math

MAX_NU = 3
MAX_L = 2

def _monomials(l):
    return [(lx, ly, l - lx - ly) for lx in range(l + 1) for ly in range(l - lx + 1)]

def _multinom(l, m):
    return math.factorial(l) // (math.factorial(m[0]) * math.factorial(m[1]) * math.factorial(m[2]))

def find_combo_vectors_nu2(l_max):
    # invariant: sum_{lx+ly+lz=l} multinom * f_{lxlylz}^2  (i.e. (r.r)^l expansion)
    vec_dict = {}
    for l in range(1, l_max + 1):
        combos = []
        for m in _monomials(l):
            combos.append([list(m), list(m), float(_multinom(l, m))])
        vec_dict[l] = combos
    return vec_dict, None

def find_combo_vectors_nu3(l_max):
    # invariant: (r1.r2)^a (r1.r3)^b (r2.r3)^c expanded into monomial triples
    vec_dict = {}
    for a in range(1, l_max + 1):
        for b in range(a, l_max + 1):
            for c in range(b, l_max + 1):
                l1, l2, l3 = a + b, a + c, b + c
                if max(l1, l2, l3) > l_max:
                    continue
                combos = []
                for ma in _monomials(a):
                    for mb in _monomials(b):
                        for mc in _monomials(c):
                            v1 = [ma[i] + mb[i] for i in range(3)]
                            v2 = [ma[i] + mc[i] for i in range(3)]
                            v3 = [mb[i] + mc[i] for i in range(3)]
                            pref = float(_multinom(a, ma) * _multinom(b, mb) * _multinom(c, mc))
                            combos.append([v1, v2, v3, pref])
                vec_dict[(a, b, c)] = combos
    return vec_dict, None

# canonical l_list ordering (matches init_kwargs l_list): (0,0,0) first
L_LIST = []
for l in range(MAX_L + 1):
    for lx in range(l, -1, -1):
        for ly in range(l - lx, -1, -1):
            L_LIST.append((lx, ly, l - lx - ly))
L_INDEX = {t: i for i, t in enumerate(L_LIST)}

def _build_blocks():
    blocks = {}
    vec_dict_allnu = {}
    if MAX_NU >= 2:
        vec_dict_allnu[2] = find_combo_vectors_nu2(MAX_L)[0]
    if MAX_NU >= 3:
        vec_dict_allnu[3] = find_combo_vectors_nu3(MAX_L)[0]
    offset = 1
    for nu in range(2, MAX_NU + 1):
        vec_dict = vec_dict_allnu[nu]
        combo_indices, combo_prefactors, combo_slots = [], [], []
        for slot_idx, (_, combo_list) in enumerate(vec_dict.items()):
            for item in combo_list:
                prefactor = item[-1]
                indices = [L_INDEX[tuple(v)] for v in item[:-1]]
                combo_indices.append(indices)
                combo_prefactors.append(prefactor)
                combo_slots.append(slot_idx)
        blocks[nu] = (np.array(combo_indices, dtype=np.int32),
                      np.array(combo_prefactors, dtype=np.float32),
                      np.array(combo_slots, dtype=np.int32),
                      len(vec_dict), offset)
        offset += len(vec_dict)
    return blocks, offset

BLOCKS, N_ANGULAR_SYM = _build_blocks()

def setup_inputs(seed: int = 0):
    key = jax.random.key(seed)
    node_attr = jax.random.normal(key, (10000, 6, len(L_LIST), 16), dtype=jnp.float32)
    return {"node_attr": node_attr}

def _symmetrize(node_attr):
    # slot 0: nu=1 term, the (0,0,0) angular channel
    parts = [node_attr[:, :, 0:1, :]]
    for nu in range(2, MAX_NU + 1):
        indices, prefactors, slots, n_slots, _ = BLOCKS[nu]
        gathered = node_attr[:, :, jnp.asarray(indices), :]          # (N,R,n_combo,nu,C) gather
        products = jnp.prod(gathered, axis=3)                         # (N,R,n_combo,C)
        weighted = products * jnp.asarray(prefactors).reshape(1, 1, -1, 1)
        per_combo = jnp.moveaxis(weighted, 2, 0)                      # (n_combo,N,R,C)
        slice_out = jax.ops.segment_sum(per_combo, jnp.asarray(slots), num_segments=n_slots)
        parts.append(jnp.moveaxis(slice_out, 0, 2))                   # scatter-add into slots
    return jnp.concatenate(parts, axis=2)                             # (N,R,n_angular_sym,C)

def reference(node_attr):
    return _symmetrize(node_attr)

if __name__ == "__main__":
    import jax
    _d = setup_inputs()
    print(jax.jit(kernel)(*tuple(_d.values())))

</pallas_src>

<mosaic_0001>
#map = affine_map<(d0, d1) -> (0, 0, 0, 0)>
module attributes {stable_mosaic.version = 14 : i64} {
  func.func @_sc_body(%arg0: i32, %arg1: i32, %arg2: memref<6x10x16x10000xf32, #tpu.memory_space<hbm>>, %arg3: memref<1x4x16x10000xf32, #tpu.memory_space<hbm>>, %arg4: memref<10x16x128xf32, #tpu.memory_space<vmem>>, %arg5: memref<4x16x128xf32, #tpu.memory_space<vmem>>, %arg6: memref<10x16x16xf32, #tpu.memory_space<vmem>>, %arg7: memref<4x16x16xf32, #tpu.memory_space<vmem>>) attributes {dimension_semantics = [#tpu.dimension_semantics<core_parallel>, #tpu.dimension_semantics<subcore_parallel>], iteration_bounds = array<i64: 2, 16>, scalar_prefetch = 0 : i64, scratch_operands = 4 : i64, tpu.core_type = #tpu.core_type<sc_vector_subcore>, window_params = [{transform_indices = #map}, {transform_indices = #map}]} {
    %mul3A = arith.constant 2 : i32
    %mul3A_0 = arith.muli %arg1, %mul3A : i32
    %add3A = arith.addi %mul3A_0, %arg0 : i32
    %sub3A = arith.constant 78 : i32
    %sub3A_1 = arith.subi %sub3A, %add3A : i32
    %add3A_2 = arith.constant 32 : i32
    %add3A_3 = arith.addi %sub3A_1, %add3A_2 : i32
    %sub3A_4 = arith.constant 1 : i32
    %sub3A_5 = arith.subi %add3A_3, %sub3A_4 : i32
    %jit3A = arith.constant 32 : i32
    %div3A = arith.divsi %sub3A_5, %jit3A : i32
    %sign3A = arith.constant 0 : i32
    %sign3A_6 = arith.cmpi sgt, %sub3A_5, %sign3A : i32
    %sign3A_7 = arith.extui %sign3A_6 : i1 to i32
    %sign3A_8 = arith.constant 0 : i32
    %sign3A_9 = arith.cmpi slt, %sub3A_5, %sign3A_8 : i32
    %sign3A_10 = arith.extui %sign3A_9 : i1 to i32
    %sign3A_11 = arith.subi %sign3A_7, %sign3A_10 : i32
    %sign3A_12 = arith.constant 0 : i32
    %sign3A_13 = arith.cmpi sgt, %jit3A, %sign3A_12 : i32
    %sign3A_14 = arith.extui %sign3A_13 : i1 to i32
    %sign3A_15 = arith.constant 0 : i32
    %sign3A_16 = arith.cmpi slt, %jit3A, %sign3A_15 : i32
    %sign3A_17 = arith.extui %sign3A_16 : i1 to i32
    %sign3A_18 = arith.subi %sign3A_14, %sign3A_17 : i32
    %ne3A = arith.cmpi ne, %sign3A_11, %sign3A_18 : i32
    %rem3A = arith.remsi %sub3A_5, %jit3A : i32
    %ne3A_19 = arith.constant 0 : i32
    %ne3A_20 = arith.cmpi ne, %rem3A, %ne3A_19 : i32
    %and3A = arith.andi %ne3A, %ne3A_20 : i1
    %sub3A_21 = arith.constant 1 : i32
    %sub3A_22 = arith.subi %div3A, %sub3A_21 : i32
    %select_n3A = arith.select %and3A, %sub3A_22, %div3A : i32
    %while3A = arith.constant 0 : i32
    %while3A_23 = arith.constant 0 : i32
    %while3A_24 = arith.subi %select_n3A, %while3A_23 : i32
    %while3A_25 = arith.addi %while3A_23, %while3A_24 : i32
    %while3A_26 = arith.constant 1 : i32
    %while3A_27 = arith.divsi %while3A_24, %while3A_26 : i32
    %while3A_28 = arith.muli %while3A_27, %while3A_26 : i32
    %while3A_29 = arith.addi %while3A_23, %while3A_28 : i32
    %while3A_30 = arith.constant 1 : i32
    scf.for %while3A_34 = %while3A_23 to %while3A_29 step %while3A_30  : i32 {
      %mul3A_35 = arith.constant 32 : i32
      %mul3A_36 = arith.muli %while3A_34, %mul3A_35 : i32
      %add3A_37 = arith.addi %add3A, %mul3A_36 : i32
      %jit3A_38 = arith.constant 78 : i32
      %div3A_39 = arith.divsi %add3A_37, %jit3A_38 : i32
      %sign3A_40 = arith.constant 0 : i32
      %sign3A_41 = arith.cmpi sgt, %add3A_37, %sign3A_40 : i32
      %sign3A_42 = arith.extui %sign3A_41 : i1 to i32
      %sign3A_43 = arith.constant 0 : i32
      %sign3A_44 = arith.cmpi slt, %add3A_37, %sign3A_43 : i32
      %sign3A_45 = arith.extui %sign3A_44 : i1 to i32
      %sign3A_46 = arith.subi %sign3A_42, %sign3A_45 : i32
      %sign3A_47 = arith.constant 0 : i32
      %sign3A_48 = arith.cmpi sgt, %jit3A_38, %sign3A_47 : i32
      %sign3A_49 = arith.extui %sign3A_48 : i1 to i32
      %sign3A_50 = arith.constant 0 : i32
      %sign3A_51 = arith.cmpi slt, %jit3A_38, %sign3A_50 : i32
      %sign3A_52 = arith.extui %sign3A_51 : i1 to i32
      %sign3A_53 = arith.subi %sign3A_49, %sign3A_52 : i32
      %ne3A_54 = arith.cmpi ne, %sign3A_46, %sign3A_53 : i32
      %rem3A_55 = arith.remsi %add3A_37, %jit3A_38 : i32
      %ne3A_56 = arith.constant 0 : i32
      %ne3A_57 = arith.cmpi ne, %rem3A_55, %ne3A_56 : i32
      %and3A_58 = arith.andi %ne3A_54, %ne3A_57 : i1
      %sub3A_59 = arith.constant 1 : i32
      %sub3A_60 = arith.subi %div3A_39, %sub3A_59 : i32
      %select_n3A_61 = arith.select %and3A_58, %sub3A_60, %div3A_39 : i32
      %jit3A_62 = arith.constant 78 : i32
      %eq3A = arith.constant 0 : i32
      %eq3A_63 = arith.cmpi eq, %jit3A_62, %eq3A : i32
      %jit3A_64 = arith.constant 1 : i32
      %select_n3A_65 = arith.select %eq3A_63, %jit3A_64, %jit3A_62 : i32
      %rem3A_66 = arith.remsi %add3A_37, %select_n3A_65 : i32
      %ne3A_67 = arith.constant 0 : i32
      %ne3A_68 = arith.cmpi ne, %rem3A_66, %ne3A_67 : i32
      %lt3A_69 = arith.constant 0 : i32
      %lt3A_70 = arith.cmpi slt, %rem3A_66, %lt3A_69 : i32
      %lt3A_71 = arith.constant 0 : i32
      %lt3A_72 = arith.cmpi slt, %select_n3A_65, %lt3A_71 : i32
      %ne3A_73 = arith.xori %lt3A_70, %lt3A_72 : i1
      %and3A_74 = arith.andi %ne3A_73, %ne3A_68 : i1
      %add3A_75 = arith.addi %rem3A_66, %select_n3A_65 : i32
      %select_n3A_76 = arith.select %and3A_74, %add3A_75, %rem3A_66 : i32
      %mul3A_77 = arith.constant 128 : i32
      %mul3A_78 = arith.muli %select_n3A_76, %mul3A_77 : i32
      %add3A_79 = arith.constant 5 : i32
      %add3A_80 = arith.addi %add3A_79, %select_n3A_61 : i32
      "tpu.region"() ({
        %run_scoped3A = tpu.sem_alloc : memref<!tpu.dma_semaphore, #tpu.memory_space<semaphore_mem>>
        %dma_start3A = arith.constant 0 : i32
        %dma_start3A_83 = arith.constant 0 : i32
        %dma_start3A_84 = tpu.memref_slice %arg2[%add3A_80, %dma_start3A, %dma_start3A_83, %mul3A_78] : memref<6x10x16x10000xf32, #tpu.memory_space<hbm>> -> memref<1x10x16x128xf32, #tpu.memory_space<hbm>>
        %dma_start3A_85 = tpu.memref_squeeze %dma_start3A_84 : memref<1x10x16x128xf32, #tpu.memory_space<hbm>> -> memref<10x16x128xf32, #tpu.memory_space<hbm>>
        %dma_start3A_86 = arith.constant 0 : i32
        %dma_start3A_87 = arith.constant 0 : i32
        %dma_start3A_88 = tpu.memref_slice %arg2[%add3A_80, %dma_start3A_86, %dma_start3A_87, %mul3A_78] : memref<6x10x16x10000xf32, #tpu.memory_space<hbm>> -> memref<1x10x16x128xf32, #tpu.memory_space<hbm>>
        %dma_start3A_89 = tpu.memref_squeeze %dma_start3A_88 : memref<1x10x16x128xf32, #tpu.memory_space<hbm>> -> memref<10x16x128xf32, #tpu.memory_space<hbm>>
        tpu.enqueue_dma source(%dma_start3A_89 : memref<10x16x128xf32, #tpu.memory_space<hbm>>) target(%arg4 : memref<10x16x128xf32, #tpu.memory_space<vmem>>) target_semaphore(%run_scoped3A : memref<!tpu.dma_semaphore, #tpu.memory_space<semaphore_mem>>)
        %dma_wait3A = arith.constant 0 : i32
        %dma_wait3A_90 = arith.constant 0 : i32
        %dma_wait3A_91 = tpu.memref_slice %arg2[%add3A_80, %dma_wait3A, %dma_wait3A_90, %mul3A_78] : memref<6x10x16x10000xf32, #tpu.memory_space<hbm>> -> memref<1x10x16x128xf32, #tpu.memory_space<hbm>>
        %dma_wait3A_92 = tpu.memref_squeeze %dma_wait3A_91 : memref<1x10x16x128xf32, #tpu.memory_space<hbm>> -> memref<10x16x128xf32, #tpu.memory_space<hbm>>
        %dma_wait3A_93 = arith.constant 0 : i32
        %dma_wait3A_94 = arith.constant 0 : i32
        %dma_wait3A_95 = tpu.memref_slice %arg2[%add3A_80, %dma_wait3A_93, %dma_wait3A_94, %mul3A_78] : memref<6x10x16x10000xf32, #tpu.memory_space<hbm>> -> memref<1x10x16x128xf32, #tpu.memory_space<hbm>>
        %dma_wait3A_96 = tpu.memref_squeeze %dma_wait3A_95 : memref<1x10x16x128xf32, #tpu.memory_space<hbm>> -> memref<10x16x128xf32, #tpu.memory_space<hbm>>
        tpu.wait_dma2 semaphore(%run_scoped3A : memref<!tpu.dma_semaphore, #tpu.memory_space<semaphore_mem>>) src(%dma_wait3A_96 : memref<10x16x128xf32, #tpu.memory_space<hbm>>) dst(%arg4 : memref<10x16x128xf32, #tpu.memory_space<vmem>>)
        tpu.yield
      }) : () -> ()
      %parallel_loop3A = arith.constant 0 : i32
      %parallel_loop3A_81 = arith.constant 128 : i32
      %parallel_loop3A_82 = arith.constant 1 : i32
      scf.for %parallel_loop3A_83 = %parallel_loop3A to %parallel_loop3A_81 step %parallel_loop3A_82  : i32 {
        %parallel_loop3A_84 = arith.constant 3 : i32
        %parallel_loop3A_85 = arith.shrsi %parallel_loop3A_83, %parallel_loop3A_84 : i32
        %parallel_loop3A_86 = arith.constant 7 : i32
        %parallel_loop3A_87 = arith.andi %parallel_loop3A_83, %parallel_loop3A_86 : i32
        %parallel_loop3A_88 = arith.constant 16 : i32
        %parallel_loop3A_89 = arith.muli %parallel_loop3A_87, %parallel_loop3A_88 : i32
        %parallel_loop3A_90 = arith.constant 0 : i32
        %parallel_loop3A_91 = arith.index_cast %parallel_loop3A_90 : i32 to index
        %parallel_loop3A_92 = arith.index_cast %parallel_loop3A_85 : i32 to index
        %parallel_loop3A_93 = arith.index_cast %parallel_loop3A_89 : i32 to index
        %parallel_loop3A_94 = tpu.vector_load %arg4[%parallel_loop3A_91, %parallel_loop3A_92, %parallel_loop3A_93] {strides = array<i32>} : memref<10x16x128xf32, #tpu.memory_space<vmem>>, vector<1x1x16xf32>,
        %parallel_loop3A_95 = vector.shape_cast %parallel_loop3A_94 : vector<1x1x16xf32> to vector<16xf32>
        %parallel_loop3A_96 = arith.constant 1 : i32
        %parallel_loop3A_97 = arith.index_cast %parallel_loop3A_96 : i32 to index
        %parallel_loop3A_98 = arith.index_cast %parallel_loop3A_85 : i32 to index
        %parallel_loop3A_99 = arith.index_cast %parallel_loop3A_89 : i32 to index
        %parallel_loop3A_100 = tpu.vector_load %arg4[%parallel_loop3A_97, %parallel_loop3A_98, %parallel_loop3A_99] {strides = array<i32>} : memref<10x16x128xf32, #tpu.memory_space<vmem>>, vector<1x1x16xf32>,
        %parallel_loop3A_101 = vector.shape_cast %parallel_loop3A_100 : vector<1x1x16xf32> to vector<16xf32>
        %parallel_loop3A_102 = arith.constant 2 : i32
        %parallel_loop3A_103 = arith.index_cast %parallel_loop3A_102 : i32 to index
        %parallel_loop3A_104 = arith.index_cast %parallel_loop3A_85 : i32 to index
        %parallel_loop3A_105 = arith.index_cast %parallel_loop3A_89 : i32 to index
        %parallel_loop3A_106 = tpu.vector_load %arg4[%parallel_loop3A_103, %parallel_loop3A_104, %parallel_loop3A_105] {strides = array<i32>} : memref<10x16x128xf32, #tpu.memory_space<vmem>>, vector<1x1x16xf32>,
        %parallel_loop3A_107 = vector.shape_cast %parallel_loop3A_106 : vector<1x1x16xf32> to vector<16xf32>
        %parallel_loop3A_108 = arith.constant 3 : i32
        %parallel_loop3A_109 = arith.index_cast %parallel_loop3A_108 : i32 to index
        %parallel_loop3A_110 = arith.index_cast %parallel_loop3A_85 : i32 to index
        %parallel_loop3A_111 = arith.index_cast %parallel_loop3A_89 : i32 to index
        %parallel_loop3A_112 = tpu.vector_load %arg4[%parallel_loop3A_109, %parallel_loop3A_110, %parallel_loop3A_111] {strides = array<i32>} : memref<10x16x128xf32, #tpu.memory_space<vmem>>, vector<1x1x16xf32>,
        %parallel_loop3A_113 = vector.shape_cast %parallel_loop3A_112 : vector<1x1x16xf32> to vector<16xf32>
        %parallel_loop3A_114 = arith.constant 4 : i32
        %parallel_loop3A_115 = arith.index_cast %parallel_loop3A_114 : i32 to index
        %parallel_loop3A_116 = arith.index_cast %parallel_loop3A_85 : i32 to index
        %parallel_loop3A_117 = arith.index_cast %parallel_loop3A_89 : i32 to index
        %parallel_loop3A_118 = tpu.vector_load %arg4[%parallel_loop3A_115, %parallel_loop3A_116, %parallel_loop3A_117] {strides = array<i32>} : memref<10x16x128xf32, #tpu.memory_space<vmem>>, vector<1x1x16xf32>,
        %parallel_loop3A_119 = vector.shape_cast %parallel_loop3A_118 : vector<1x1x16xf32> to vector<16xf32>
        %parallel_loop3A_120 = arith.constant 5 : i32
        %parallel_loop3A_121 = arith.index_cast %parallel_loop3A_120 : i32 to index
        %parallel_loop3A_122 = arith.index_cast %parallel_loop3A_85 : i32 to index
        %parallel_loop3A_123 = arith.index_cast %parallel_loop3A_89 : i32 to index
        %parallel_loop3A_124 = tpu.vector_load %arg4[%parallel_loop3A_121, %parallel_loop3A_122, %parallel_loop3A_123] {strides = array<i32>} : memref<10x16x128xf32, #tpu.memory_space<vmem>>, vector<1x1x16xf32>,
        %parallel_loop3A_125 = vector.shape_cast %parallel_loop3A_124 : vector<1x1x16xf32> to vector<16xf32>
        %parallel_loop3A_126 = arith.constant 6 : i32
        %parallel_loop3A_127 = arith.index_cast %parallel_loop3A_126 : i32 to index
        %parallel_loop3A_128 = arith.index_cast %parallel_loop3A_85 : i32 to index
        %parallel_loop3A_129 = arith.index_cast %parallel_loop3A_89 : i32 to index
        %parallel_loop3A_130 = tpu.vector_load %arg4[%parallel_loop3A_127, %parallel_loop3A_128, %parallel_loop3A_129] {strides = array<i32>} : memref<10x16x128xf32, #tpu.memory_space<vmem>>, vector<1x1x16xf32>,
        %parallel_loop3A_131 = vector.shape_cast %parallel_loop3A_130 : vector<1x1x16xf32> to vector<16xf32>
        %parallel_loop3A_132 = arith.constant 7 : i32
        %parallel_loop3A_133 = arith.index_cast %parallel_loop3A_132 : i32 to index
        %parallel_loop3A_134 = arith.index_cast %parallel_loop3A_85 : i32 to index
        %parallel_loop3A_135 = arith.index_cast %parallel_loop3A_89 : i32 to index
        %parallel_loop3A_136 = tpu.vector_load %arg4[%parallel_loop3A_133, %parallel_loop3A_134, %parallel_loop3A_135] {strides = array<i32>} : memref<10x16x128xf32, #tpu.memory_space<vmem>>, vector<1x1x16xf32>,
        %parallel_loop3A_137 = vector.shape_cast %parallel_loop3A_136 : vector<1x1x16xf32> to vector<16xf32>
        %parallel_loop3A_138 = arith.constant 8 : i32
        %parallel_loop3A_139 = arith.index_cast %parallel_loop3A_138 : i32 to index
        %parallel_loop3A_140 = arith.index_cast %parallel_loop3A_85 : i32 to index
        %parallel_loop3A_141 = arith.index_cast %parallel_loop3A_89 : i32 to index
        %parallel_loop3A_142 = tpu.vector_load %arg4[%parallel_loop3A_139, %parallel_loop3A_140, %parallel_loop3A_141] {strides = array<i32>} : memref<10x16x128xf32, #tpu.memory_space<vmem>>, vector<1x1x16xf32>,
        %parallel_loop3A_143 = vector.shape_cast %parallel_loop3A_142 : vector<1x1x16xf32> to vector<16xf32>
        %parallel_loop3A_144 = arith.constant 9 : i32
        %parallel_loop3A_145 = arith.index_cast %parallel_loop3A_144 : i32 to index
        %parallel_loop3A_146 = arith.index_cast %parallel_loop3A_85 : i32 to index
        %parallel_loop3A_147 = arith.index_cast %parallel_loop3A_89 : i32 to index
        %parallel_loop3A_148 = tpu.vector_load %arg4[%parallel_loop3A_145, %parallel_loop3A_146, %parallel_loop3A_147] {strides = array<i32>} : memref<10x16x128xf32, #tpu.memory_space<vmem>>, vector<1x1x16xf32>,
        %parallel_loop3A_149 = vector.shape_cast %parallel_loop3A_148 : vector<1x1x16xf32> to vector<16xf32>
        %parallel_loop3A_150 = arith.mulf %parallel_loop3A_101, %parallel_loop3A_101 : vector<16xf32>
        %parallel_loop3A_151 = arith.mulf %parallel_loop3A_107, %parallel_loop3A_107 : vector<16xf32>
        %parallel_loop3A_152 = arith.mulf %parallel_loop3A_113, %parallel_loop3A_113 : vector<16xf32>
        %parallel_loop3A_153 = arith.mulf %parallel_loop3A_119, %parallel_loop3A_119 : vector<16xf32>
        %parallel_loop3A_154 = arith.mulf %parallel_loop3A_125, %parallel_loop3A_125 : vector<16xf32>
        %parallel_loop3A_155 = arith.mulf %parallel_loop3A_131, %parallel_loop3A_131 : vector<16xf32>
        %parallel_loop3A_156 = arith.mulf %parallel_loop3A_137, %parallel_loop3A_137 : vector<16xf32>
        %parallel_loop3A_157 = arith.mulf %parallel_loop3A_143, %parallel_loop3A_143 : vector<16xf32>
        %parallel_loop3A_158 = arith.mulf %parallel_loop3A_149, %parallel_loop3A_149 : vector<16xf32>
        %parallel_loop3A_159 = arith.addf %parallel_loop3A_150, %parallel_loop3A_151 : vector<16xf32>
        %parallel_loop3A_160 = arith.addf %parallel_loop3A_159, %parallel_loop3A_152 : vector<16xf32>
        %parallel_loop3A_161 = arith.addf %parallel_loop3A_153, %parallel_loop3A_156 : vector<16xf32>
        %parallel_loop3A_162 = arith.addf %parallel_loop3A_161, %parallel_loop3A_158 : vector<16xf32>
        %parallel_loop3A_163 = arith.addf %parallel_loop3A_154, %parallel_loop3A_155 : vector<16xf32>
        %parallel_loop3A_164 = arith.addf %parallel_loop3A_163, %parallel_loop3A_157 : vector<16xf32>
        %parallel_loop3A_165 = arith.constant 2.000000e+00 : f32
        %parallel_loop3A_166 = vector.broadcast %parallel_loop3A_165 : f32 to vector<16xf32>
        %parallel_loop3A_167 = arith.mulf %parallel_loop3A_166, %parallel_loop3A_164 : vector<16xf32>
        %parallel_loop3A_168 = arith.addf %parallel_loop3A_162, %parallel_loop3A_167 : vector<16xf32>
        %parallel_loop3A_169 = arith.mulf %parallel_loop3A_119, %parallel_loop3A_153 : vector<16xf32>
        %parallel_loop3A_170 = arith.mulf %parallel_loop3A_137, %parallel_loop3A_156 : vector<16xf32>
        %parallel_loop3A_171 = arith.addf %parallel_loop3A_169, %parallel_loop3A_170 : vector<16xf32>
        %parallel_loop3A_172 = arith.mulf %parallel_loop3A_149, %parallel_loop3A_158 : vector<16xf32>
        %parallel_loop3A_173 = arith.addf %parallel_loop3A_171, %parallel_loop3A_172 : vector<16xf32>
        %parallel_loop3A_174 = arith.addf %parallel_loop3A_154, %parallel_loop3A_155 : vector<16xf32>
        %parallel_loop3A_175 = arith.mulf %parallel_loop3A_119, %parallel_loop3A_174 : vector<16xf32>
        %parallel_loop3A_176 = arith.addf %parallel_loop3A_154, %parallel_loop3A_157 : vector<16xf32>
        %parallel_loop3A_177 = arith.mulf %parallel_loop3A_137, %parallel_loop3A_176 : vector<16xf32>
        %parallel_loop3A_178 = arith.addf %parallel_loop3A_175, %parallel_loop3A_177 : vector<16xf32>
        %parallel_loop3A_179 = arith.addf %parallel_loop3A_155, %parallel_loop3A_157 : vector<16xf32>
        %parallel_loop3A_180 = arith.mulf %parallel_loop3A_149, %parallel_loop3A_179 : vector<16xf32>
        %parallel_loop3A_181 = arith.addf %parallel_loop3A_178, %parallel_loop3A_180 : vector<16xf32>
        %parallel_loop3A_182 = arith.mulf %parallel_loop3A_125, %parallel_loop3A_131 : vector<16xf32>
        %parallel_loop3A_183 = arith.mulf %parallel_loop3A_182, %parallel_loop3A_143 : vector<16xf32>
        %parallel_loop3A_184 = arith.constant 3.000000e+00 : f32
        %parallel_loop3A_185 = vector.broadcast %parallel_loop3A_184 : f32 to vector<16xf32>
        %parallel_loop3A_186 = arith.mulf %parallel_loop3A_185, %parallel_loop3A_181 : vector<16xf32>
        %parallel_loop3A_187 = arith.addf %parallel_loop3A_173, %parallel_loop3A_186 : vector<16xf32>
        %parallel_loop3A_188 = arith.constant 6.000000e+00 : f32
        %parallel_loop3A_189 = vector.broadcast %parallel_loop3A_188 : f32 to vector<16xf32>
        %parallel_loop3A_190 = arith.mulf %parallel_loop3A_189, %parallel_loop3A_183 : vector<16xf32>
        %parallel_loop3A_191 = arith.addf %parallel_loop3A_187, %parallel_loop3A_190 : vector<16xf32>
        %parallel_loop3A_192 = arith.constant 0 : i32
        %parallel_loop3A_193 = arith.index_cast %parallel_loop3A_192 : i32 to index
        %parallel_loop3A_194 = arith.index_cast %parallel_loop3A_85 : i32 to index
        %parallel_loop3A_195 = arith.index_cast %parallel_loop3A_89 : i32 to index
        %parallel_loop3A_196 = tpu.vector_load %arg5[%parallel_loop3A_193, %parallel_loop3A_194, %parallel_loop3A_195] {strides = array<i32>} : memref<4x16x128xf32, #tpu.memory_space<vmem>>, vector<1x1x16xf32>,
        %parallel_loop3A_197 = vector.shape_cast %parallel_loop3A_196 : vector<1x1x16xf32> to vector<16xf32>
        %parallel_loop3A_198 = vector.shape_cast %parallel_loop3A_95 : vector<16xf32> to vector<1x1x16xf32>
        tpu.vector_store %arg5[%parallel_loop3A_193, %parallel_loop3A_194, %parallel_loop3A_195], %parallel_loop3A_198 {strides = array<i32>} : memref<4x16x128xf32, #tpu.memory_space<vmem>>, vector<1x1x16xf32>,
        %parallel_loop3A_199 = arith.constant 1 : i32
        %parallel_loop3A_200 = arith.index_cast %parallel_loop3A_199 : i32 to index
        %parallel_loop3A_201 = arith.index_cast %parallel_loop3A_85 : i32 to index
        %parallel_loop3A_202 = arith.index_cast %parallel_loop3A_89 : i32 to index
        %parallel_loop3A_203 = tpu.vector_load %arg5[%parallel_loop3A_200, %parallel_loop3A_201, %parallel_loop3A_202] {strides = array<i32>} : memref<4x16x128xf32, #tpu.memory_space<vmem>>, vector<1x1x16xf32>,
        %parallel_loop3A_204 = vector.shape_cast %parallel_loop3A_203 : vector<1x1x16xf32> to vector<16xf32>
        %parallel_loop3A_205 = vector.shape_cast %parallel_loop3A_160 : vector<16xf32> to vector<1x1x16xf32>
        tpu.vector_store %arg5[%parallel_loop3A_200, %parallel_loop3A_201, %parallel_loop3A_202], %parallel_loop3A_205 {strides = array<i32>} : memref<4x16x128xf32, #tpu.memory_space<vmem>>, vector<1x1x16xf32>,
        %parallel_loop3A_206 = arith.constant 2 : i32
        %parallel_loop3A_207 = arith.index_cast %parallel_loop3A_206 : i32 to index
        %parallel_loop3A_208 = arith.index_cast %parallel_loop3A_85 : i32 to index
        %parallel_loop3A_209 = arith.index_cast %parallel_loop3A_89 : i32 to index
        %parallel_loop3A_210 = tpu.vector_load %arg5[%parallel_loop3A_207, %parallel_loop3A_208, %parallel_loop3A_209] {strides = array<i32>} : memref<4x16x128xf32, #tpu.memory_space<vmem>>, vector<1x1x16xf32>,
        %parallel_loop3A_211 = vector.shape_cast %parallel_loop3A_210 : vector<1x1x16xf32> to vector<16xf32>
        %parallel_loop3A_212 = vector.shape_cast %parallel_loop3A_168 : vector<16xf32> to vector<1x1x16xf32>
        tpu.vector_store %arg5[%parallel_loop3A_207, %parallel_loop3A_208, %parallel_loop3A_209], %parallel_loop3A_212 {strides = array<i32>} : memref<4x16x128xf32, #tpu.memory_space<vmem>>, vector<1x1x16xf32>,
        %parallel_loop3A_213 = arith.constant 3 : i32
        %parallel_loop3A_214 = arith.index_cast %parallel_loop3A_213 : i32 to index
        %parallel_loop3A_215 = arith.index_cast %parallel_loop3A_85 : i32 to index
        %parallel_loop3A_216 = arith.index_cast %parallel_loop3A_89 : i32 to index
        %parallel_loop3A_217 = tpu.vector_load %arg5[%parallel_loop3A_214, %parallel_loop3A_215, %parallel_loop3A_216] {strides = array<i32>} : memref<4x16x128xf32, #tpu.memory_space<vmem>>, vector<1x1x16xf32>,
        %parallel_loop3A_218 = vector.shape_cast %parallel_loop3A_217 : vector<1x1x16xf32> to vector<16xf32>
        %parallel_loop3A_219 = vector.shape_cast %parallel_loop3A_191 : vector<16xf32> to vector<1x1x16xf32>
        tpu.vector_store %arg5[%parallel_loop3A_214, %parallel_loop3A_215, %parallel_loop3A_216], %parallel_loop3A_219 {strides = array<i32>} : memref<4x16x128xf32, #tpu.memory_space<vmem>>, vector<1x1x16xf32>,
      } {sc.loop_unroll_factor = 2 : i64, sc.parallel_access}
      "tpu.region"() ({
        %run_scoped3A = tpu.sem_alloc : memref<!tpu.dma_semaphore, #tpu.memory_space<semaphore_mem>>
        %dma_start3A = arith.constant 0 : i32
        %dma_start3A_83 = arith.constant 0 : i32
        %dma_start3A_84 = tpu.memref_slice %arg3[%select_n3A_61, %dma_start3A, %dma_start3A_83, %mul3A_78] : memref<1x4x16x10000xf32, #tpu.memory_space<hbm>> -> memref<1x4x16x128xf32, #tpu.memory_space<hbm>>
        %dma_start3A_85 = tpu.memref_squeeze %dma_start3A_84 : memref<1x4x16x128xf32, #tpu.memory_space<hbm>> -> memref<4x16x128xf32, #tpu.memory_space<hbm>>
        %dma_start3A_86 = arith.constant 0 : i32
        %dma_start3A_87 = arith.constant 0 : i32
        %dma_start3A_88 = tpu.memref_slice %arg3[%select_n3A_61, %dma_start3A_86, %dma_start3A_87, %mul3A_78] : memref<1x4x16x10000xf32, #tpu.memory_space<hbm>> -> memref<1x4x16x128xf32, #tpu.memory_space<hbm>>
        %dma_start3A_89 = tpu.memref_squeeze %dma_start3A_88 : memref<1x4x16x128xf32, #tpu.memory_space<hbm>> -> memref<4x16x128xf32, #tpu.memory_space<hbm>>
        tpu.enqueue_dma source(%arg5 : memref<4x16x128xf32, #tpu.memory_space<vmem>>) target(%dma_start3A_89 : memref<4x16x128xf32, #tpu.memory_space<hbm>>) target_semaphore(%run_scoped3A : memref<!tpu.dma_semaphore, #tpu.memory_space<semaphore_mem>>)
        %dma_wait3A = arith.constant 0 : i32
        %dma_wait3A_90 = arith.constant 0 : i32
        %dma_wait3A_91 = tpu.memref_slice %arg3[%select_n3A_61, %dma_wait3A, %dma_wait3A_90, %mul3A_78] : memref<1x4x16x10000xf32, #tpu.memory_space<hbm>> -> memref<1x4x16x128xf32, #tpu.memory_space<hbm>>
        %dma_wait3A_92 = tpu.memref_squeeze %dma_wait3A_91 : memref<1x4x16x128xf32, #tpu.memory_space<hbm>> -> memref<4x16x128xf32, #tpu.memory_space<hbm>>
        %dma_wait3A_93 = arith.constant 0 : i32
        %dma_wait3A_94 = arith.constant 0 : i32
        %dma_wait3A_95 = tpu.memref_slice %arg3[%select_n3A_61, %dma_wait3A_93, %dma_wait3A_94, %mul3A_78] : memref<1x4x16x10000xf32, #tpu.memory_space<hbm>> -> memref<1x4x16x128xf32, #tpu.memory_space<hbm>>
        %dma_wait3A_96 = tpu.memref_squeeze %dma_wait3A_95 : memref<1x4x16x128xf32, #tpu.memory_space<hbm>> -> memref<4x16x128xf32, #tpu.memory_space<hbm>>
        tpu.wait_dma2 semaphore(%run_scoped3A : memref<!tpu.dma_semaphore, #tpu.memory_space<semaphore_mem>>) src(%arg5 : memref<4x16x128xf32, #tpu.memory_space<vmem>>) dst(%dma_wait3A_96 : memref<4x16x128xf32, #tpu.memory_space<hbm>>)
        tpu.yield
      }) : () -> ()
    }
    %while3A_31 = arith.constant 1 : i32
    scf.for %while3A_34 = %while3A_29 to %while3A_25 step %while3A_31  : i32 {
      %mul3A_35 = arith.constant 32 : i32
      %mul3A_36 = arith.muli %while3A_34, %mul3A_35 : i32
      %add3A_37 = arith.addi %add3A, %mul3A_36 : i32
      %jit3A_38 = arith.constant 78 : i32
      %div3A_39 = arith.divsi %add3A_37, %jit3A_38 : i32
      %sign3A_40 = arith.constant 0 : i32
      %sign3A_41 = arith.cmpi sgt, %add3A_37, %sign3A_40 : i32
      %sign3A_42 = arith.extui %sign3A_41 : i1 to i32
      %sign3A_43 = arith.constant 0 : i32
      %sign3A_44 = arith.cmpi slt, %add3A_37, %sign3A_43 : i32
      %sign3A_45 = arith.extui %sign3A_44 : i1 to i32
      %sign3A_46 = arith.subi %sign3A_42, %sign3A_45 : i32
      %sign3A_47 = arith.constant 0 : i32
      %sign3A_48 = arith.cmpi sgt, %jit3A_38, %sign3A_47 : i32
      %sign3A_49 = arith.extui %sign3A_48 : i1 to i32
      %sign3A_50 = arith.constant 0 : i32
      %sign3A_51 = arith.cmpi slt, %jit3A_38, %sign3A_50 : i32
      %sign3A_52 = arith.extui %sign3A_51 : i1 to i32
      %sign3A_53 = arith.subi %sign3A_49, %sign3A_52 : i32
      %ne3A_54 = arith.cmpi ne, %sign3A_46, %sign3A_53 : i32
      %rem3A_55 = arith.remsi %add3A_37, %jit3A_38 : i32
      %ne3A_56 = arith.constant 0 : i32
      %ne3A_57 = arith.cmpi ne, %rem3A_55, %ne3A_56 : i32
      %and3A_58 = arith.andi %ne3A_54, %ne3A_57 : i1
      %sub3A_59 = arith.constant 1 : i32
      %sub3A_60 = arith.subi %div3A_39, %sub3A_59 : i32
      %select_n3A_61 = arith.select %and3A_58, %sub3A_60, %div3A_39 : i32
      %jit3A_62 = arith.constant 78 : i32
      %eq3A = arith.constant 0 : i32
      %eq3A_63 = arith.cmpi eq, %jit3A_62, %eq3A : i32
      %jit3A_64 = arith.constant 1 : i32
      %select_n3A_65 = arith.select %eq3A_63, %jit3A_64, %jit3A_62 : i32
      %rem3A_66 = arith.remsi %add3A_37, %select_n3A_65 : i32
      %ne3A_67 = arith.constant 0 : i32
      %ne3A_68 = arith.cmpi ne, %rem3A_66, %ne3A_67 : i32
      %lt3A_69 = arith.constant 0 : i32
      %lt3A_70 = arith.cmpi slt, %rem3A_66, %lt3A_69 : i32
      %lt3A_71 = arith.constant 0 : i32
      %lt3A_72 = arith.cmpi slt, %select_n3A_65, %lt3A_71 : i32
      %ne3A_73 = arith.xori %lt3A_70, %lt3A_72 : i1
      %and3A_74 = arith.andi %ne3A_73, %ne3A_68 : i1
      %add3A_75 = arith.addi %rem3A_66, %select_n3A_65 : i32
      %select_n3A_76 = arith.select %and3A_74, %add3A_75, %rem3A_66 : i32
      %mul3A_77 = arith.constant 128 : i32
      %mul3A_78 = arith.muli %select_n3A_76, %mul3A_77 : i32
      %add3A_79 = arith.constant 5 : i32
      %add3A_80 = arith.addi %add3A_79, %select_n3A_61 : i32
      "tpu.region"() ({
        %run_scoped3A = tpu.sem_alloc : memref<!tpu.dma_semaphore, #tpu.memory_space<semaphore_mem>>
        %dma_start3A = arith.constant 0 : i32
        %dma_start3A_83 = arith.constant 0 : i32
        %dma_start3A_84 = tpu.memref_slice %arg2[%add3A_80, %dma_start3A, %dma_start3A_83, %mul3A_78] : memref<6x10x16x10000xf32, #tpu.memory_space<hbm>> -> memref<1x10x16x128xf32, #tpu.memory_space<hbm>>
        %dma_start3A_85 = tpu.memref_squeeze %dma_start3A_84 : memref<1x10x16x128xf32, #tpu.memory_space<hbm>> -> memref<10x16x128xf32, #tpu.memory_space<hbm>>
        %dma_start3A_86 = arith.constant 0 : i32
        %dma_start3A_87 = arith.constant 0 : i32
        %dma_start3A_88 = tpu.memref_slice %arg2[%add3A_80, %dma_start3A_86, %dma_start3A_87, %mul3A_78] : memref<6x10x16x10000xf32, #tpu.memory_space<hbm>> -> memref<1x10x16x128xf32, #tpu.memory_space<hbm>>
        %dma_start3A_89 = tpu.memref_squeeze %dma_start3A_88 : memref<1x10x16x128xf32, #tpu.memory_space<hbm>> -> memref<10x16x128xf32, #tpu.memory_space<hbm>>
        tpu.enqueue_dma source(%dma_start3A_89 : memref<10x16x128xf32, #tpu.memory_space<hbm>>) target(%arg4 : memref<10x16x128xf32, #tpu.memory_space<vmem>>) target_semaphore(%run_scoped3A : memref<!tpu.dma_semaphore, #tpu.memory_space<semaphore_mem>>)
        %dma_wait3A = arith.constant 0 : i32
        %dma_wait3A_90 = arith.constant 0 : i32
        %dma_wait3A_91 = tpu.memref_slice %arg2[%add3A_80, %dma_wait3A, %dma_wait3A_90, %mul3A_78] : memref<6x10x16x10000xf32, #tpu.memory_space<hbm>> -> memref<1x10x16x128xf32, #tpu.memory_space<hbm>>
        %dma_wait3A_92 = tpu.memref_squeeze %dma_wait3A_91 : memref<1x10x16x128xf32, #tpu.memory_space<hbm>> -> memref<10x16x128xf32, #tpu.memory_space<hbm>>
        %dma_wait3A_93 = arith.constant 0 : i32
        %dma_wait3A_94 = arith.constant 0 : i32
        %dma_wait3A_95 = tpu.memref_slice %arg2[%add3A_80, %dma_wait3A_93, %dma_wait3A_94, %mul3A_78] : memref<6x10x16x10000xf32, #tpu.memory_space<hbm>> -> memref<1x10x16x128xf32, #tpu.memory_space<hbm>>
        %dma_wait3A_96 = tpu.memref_squeeze %dma_wait3A_95 : memref<1x10x16x128xf32, #tpu.memory_space<hbm>> -> memref<10x16x128xf32, #tpu.memory_space<hbm>>
        tpu.wait_dma2 semaphore(%run_scoped3A : memref<!tpu.dma_semaphore, #tpu.memory_space<semaphore_mem>>) src(%dma_wait3A_96 : memref<10x16x128xf32, #tpu.memory_space<hbm>>) dst(%arg4 : memref<10x16x128xf32, #tpu.memory_space<vmem>>)
        tpu.yield
      }) : () -> ()
      %parallel_loop3A = arith.constant 0 : i32
      %parallel_loop3A_81 = arith.constant 128 : i32
      %parallel_loop3A_82 = arith.constant 1 : i32
      scf.for %parallel_loop3A_83 = %parallel_loop3A to %parallel_loop3A_81 step %parallel_loop3A_82  : i32 {
        %parallel_loop3A_84 = arith.constant 3 : i32
        %parallel_loop3A_85 = arith.shrsi %parallel_loop3A_83, %parallel_loop3A_84 : i32
        %parallel_loop3A_86 = arith.constant 7 : i32
        %parallel_loop3A_87 = arith.andi %parallel_loop3A_83, %parallel_loop3A_86 : i32
        %parallel_loop3A_88 = arith.constant 16 : i32
        %parallel_loop3A_89 = arith.muli %parallel_loop3A_87, %parallel_loop3A_88 : i32
        %parallel_loop3A_90 = arith.constant 0 : i32
        %parallel_loop3A_91 = arith.index_cast %parallel_loop3A_90 : i32 to index
        %parallel_loop3A_92 = arith.index_cast %parallel_loop3A_85 : i32 to index
        %parallel_loop3A_93 = arith.index_cast %parallel_loop3A_89 : i32 to index
        %parallel_loop3A_94 = tpu.vector_load %arg4[%parallel_loop3A_91, %parallel_loop3A_92, %parallel_loop3A_93] {strides = array<i32>} : memref<10x16x128xf32, #tpu.memory_space<vmem>>, vector<1x1x16xf32>,
        %parallel_loop3A_95 = vector.shape_cast %parallel_loop3A_94 : vector<1x1x16xf32> to vector<16xf32>
        %parallel_loop3A_96 = arith.constant 1 : i32
        %parallel_loop3A_97 = arith.index_cast %parallel_loop3A_96 : i32 to index
        %parallel_loop3A_98 = arith.index_cast %parallel_loop3A_85 : i32 to index
        %parallel_loop3A_99 = arith.index_cast %parallel_loop3A_89 : i32 to index
        %parallel_loop3A_100 = tpu.vector_load %arg4[%parallel_loop3A_97, %parallel_loop3A_98, %parallel_loop3A_99] {strides = array<i32>} : memref<10x16x128xf32, #tpu.memory_space<vmem>>, vector<1x1x16xf32>,
        %parallel_loop3A_101 = vector.shape_cast %parallel_loop3A_100 : vector<1x1x16xf32> to vector<16xf32>
        %parallel_loop3A_102 = arith.constant 2 : i32
        %parallel_loop3A_103 = arith.index_cast %parallel_loop3A_102 : i32 to index
        %parallel_loop3A_104 = arith.index_cast %parallel_loop3A_85 : i32 to index
        %parallel_loop3A_105 = arith.index_cast %parallel_loop3A_89 : i32 to index
        %parallel_loop3A_106 = tpu.vector_load %arg4[%parallel_loop3A_103, %parallel_loop3A_104, %parallel_loop3A_105] {strides = array<i32>} : memref<10x16x128xf32, #tpu.memory_space<vmem>>, vector<1x1x16xf32>,
        %parallel_loop3A_107 = vector.shape_cast %parallel_loop3A_106 : vector<1x1x16xf32> to vector<16xf32>
        %parallel_loop3A_108 = arith.constant 3 : i32
        %parallel_loop3A_109 = arith.index_cast %parallel_loop3A_108 : i32 to index
        %parallel_loop3A_110 = arith.index_cast %parallel_loop3A_85 : i32 to index
        %parallel_loop3A_111 = arith.index_cast %parallel_loop3A_89 : i32 to index
        %parallel_loop3A_112 = tpu.vector_load %arg4[%parallel_loop3A_109, %parallel_loop3A_110, %parallel_loop3A_111] {strides = array<i32>} : memref<10x16x128xf32, #tpu.memory_space<vmem>>, vector<1x1x16xf32>,
        %parallel_loop3A_113 = vector.shape_cast %parallel_loop3A_112 : vector<1x1x16xf32> to vector<16xf32>
        %parallel_loop3A_114 = arith.constant 4 : i32
        %parallel_loop3A_115 = arith.index_cast %parallel_loop3A_114 : i32 to index
        %parallel_loop3A_116 = arith.index_cast %parallel_loop3A_85 : i32 to index
        %parallel_loop3A_117 = arith.index_cast %parallel_loop3A_89 : i32 to index
        %parallel_loop3A_118 = tpu.vector_load %arg4[%parallel_loop3A_115, %parallel_loop3A_116, %parallel_loop3A_117] {strides = array<i32>} : memref<10x16x128xf32, #tpu.memory_space<vmem>>, vector<1x1x16xf32>,
        %parallel_loop3A_119 = vector.shape_cast %parallel_loop3A_118 : vector<1x1x16xf32> to vector<16xf32>
        %parallel_loop3A_120 = arith.constant 5 : i32
        %parallel_loop3A_121 = arith.index_cast %parallel_loop3A_120 : i32 to index
        %parallel_loop3A_122 = arith.index_cast %parallel_loop3A_85 : i32 to index
        %parallel_loop3A_123 = arith.index_cast %parallel_loop3A_89 : i32 to index
        %parallel_loop3A_124 = tpu.vector_load %arg4[%parallel_loop3A_121, %parallel_loop3A_122, %parallel_loop3A_123] {strides = array<i32>} : memref<10x16x128xf32, #tpu.memory_space<vmem>>, vector<1x1x16xf32>,
        %parallel_loop3A_125 = vector.shape_cast %parallel_loop3A_124 : vector<1x1x16xf32> to vector<16xf32>
        %parallel_loop3A_126 = arith.constant 6 : i32
        %parallel_loop3A_127 = arith.index_cast %parallel_loop3A_126 : i32 to index
        %parallel_loop3A_128 = arith.index_cast %parallel_loop3A_85 : i32 to index
        %parallel_loop3A_129 = arith.index_cast %parallel_loop3A_89 : i32 to index
        %parallel_loop3A_130 = tpu.vector_load %arg4[%parallel_loop3A_127, %parallel_loop3A_128, %parallel_loop3A_129] {strides = array<i32>} : memref<10x16x128xf32, #tpu.memory_space<vmem>>, vector<1x1x16xf32>,
        %parallel_loop3A_131 = vector.shape_cast %parallel_loop3A_130 : vector<1x1x16xf32> to vector<16xf32>
        %parallel_loop3A_132 = arith.constant 7 : i32
        %parallel_loop3A_133 = arith.index_cast %parallel_loop3A_132 : i32 to index
        %parallel_loop3A_134 = arith.index_cast %parallel_loop3A_85 : i32 to index
        %parallel_loop3A_135 = arith.index_cast %parallel_loop3A_89 : i32 to index
        %parallel_loop3A_136 = tpu.vector_load %arg4[%parallel_loop3A_133, %parallel_loop3A_134, %parallel_loop3A_135] {strides = array<i32>} : memref<10x16x128xf32, #tpu.memory_space<vmem>>, vector<1x1x16xf32>,
        %parallel_loop3A_137 = vector.shape_cast %parallel_loop3A_136 : vector<1x1x16xf32> to vector<16xf32>
        %parallel_loop3A_138 = arith.constant 8 : i32
        %parallel_loop3A_139 = arith.index_cast %parallel_loop3A_138 : i32 to index
        %parallel_loop3A_140 = arith.index_cast %parallel_loop3A_85 : i32 to index
        %parallel_loop3A_141 = arith.index_cast %parallel_loop3A_89 : i32 to index
        %parallel_loop3A_142 = tpu.vector_load %arg4[%parallel_loop3A_139, %parallel_loop3A_140, %parallel_loop3A_141] {strides = array<i32>} : memref<10x16x128xf32, #tpu.memory_space<vmem>>, vector<1x1x16xf32>,
        %parallel_loop3A_143 = vector.shape_cast %parallel_loop3A_142 : vector<1x1x16xf32> to vector<16xf32>
        %parallel_loop3A_144 = arith.constant 9 : i32
        %parallel_loop3A_145 = arith.index_cast %parallel_loop3A_144 : i32 to index
        %parallel_loop3A_146 = arith.index_cast %parallel_loop3A_85 : i32 to index
        %parallel_loop3A_147 = arith.index_cast %parallel_loop3A_89 : i32 to index
        %parallel_loop3A_148 = tpu.vector_load %arg4[%parallel_loop3A_145, %parallel_loop3A_146, %parallel_loop3A_147] {strides = array<i32>} : memref<10x16x128xf32, #tpu.memory_space<vmem>>, vector<1x1x16xf32>,
        %parallel_loop3A_149 = vector.shape_cast %parallel_loop3A_148 : vector<1x1x16xf32> to vector<16xf32>
        %parallel_loop3A_150 = arith.mulf %parallel_loop3A_101, %parallel_loop3A_101 : vector<16xf32>
        %parallel_loop3A_151 = arith.mulf %parallel_loop3A_107, %parallel_loop3A_107 : vector<16xf32>
        %parallel_loop3A_152 = arith.mulf %parallel_loop3A_113, %parallel_loop3A_113 : vector<16xf32>
        %parallel_loop3A_153 = arith.mulf %parallel_loop3A_119, %parallel_loop3A_119 : vector<16xf32>
        %parallel_loop3A_154 = arith.mulf %parallel_loop3A_125, %parallel_loop3A_125 : vector<16xf32>
        %parallel_loop3A_155 = arith.mulf %parallel_loop3A_131, %parallel_loop3A_131 : vector<16xf32>
        %parallel_loop3A_156 = arith.mulf %parallel_loop3A_137, %parallel_loop3A_137 : vector<16xf32>
        %parallel_loop3A_157 = arith.mulf %parallel_loop3A_143, %parallel_loop3A_143 : vector<16xf32>
        %parallel_loop3A_158 = arith.mulf %parallel_loop3A_149, %parallel_loop3A_149 : vector<16xf32>
        %parallel_loop3A_159 = arith.addf %parallel_loop3A_150, %parallel_loop3A_151 : vector<16xf32>
        %parallel_loop3A_160 = arith.addf %parallel_loop3A_159, %parallel_loop3A_152 : vector<16xf32>
        %parallel_loop3A_161 = arith.addf %parallel_loop3A_153, %parallel_loop3A_156 : vector<16xf32>
        %parallel_loop3A_162 = arith.addf %parallel_loop3A_161, %parallel_loop3A_158 : vector<16xf32>
        %parallel_loop3A_163 = arith.addf %parallel_loop3A_154, %parallel_loop3A_155 : vector<16xf32>
        %parallel_loop3A_164 = arith.addf %parallel_loop3A_163, %parallel_loop3A_157 : vector<16xf32>
        %parallel_loop3A_165 = arith.constant 2.000000e+00 : f32
        %parallel_loop3A_166 = vector.broadcast %parallel_loop3A_165 : f32 to vector<16xf32>
        %parallel_loop3A_167 = arith.mulf %parallel_loop3A_166, %parallel_loop3A_164 : vector<16xf32>
        %parallel_loop3A_168 = arith.addf %parallel_loop3A_162, %parallel_loop3A_167 : vector<16xf32>
        %parallel_loop3A_169 = arith.mulf %parallel_loop3A_119, %parallel_loop3A_153 : vector<16xf32>
        %parallel_loop3A_170 = arith.mulf %parallel_loop3A_137, %parallel_loop3A_156 : vector<16xf32>
        %parallel_loop3A_171 = arith.addf %parallel_loop3A_169, %parallel_loop3A_170 : vector<16xf32>
        %parallel_loop3A_172 = arith.mulf %parallel_loop3A_149, %parallel_loop3A_158 : vector<16xf32>
        %parallel_loop3A_173 = arith.addf %parallel_loop3A_171, %parallel_loop3A_172 : vector<16xf32>
        %parallel_loop3A_174 = arith.addf %parallel_loop3A_154, %parallel_loop3A_155 : vector<16xf32>
        %parallel_loop3A_175 = arith.mulf %parallel_loop3A_119, %parallel_loop3A_174 : vector<16xf32>
        %parallel_loop3A_176 = arith.addf %parallel_loop3A_154, %parallel_loop3A_157 : vector<16xf32>
        %parallel_loop3A_177 = arith.mulf %parallel_loop3A_137, %parallel_loop3A_176 : vector<16xf32>
        %parallel_loop3A_178 = arith.addf %parallel_loop3A_175, %parallel_loop3A_177 : vector<16xf32>
        %parallel_loop3A_179 = arith.addf %parallel_loop3A_155, %parallel_loop3A_157 : vector<16xf32>
        %parallel_loop3A_180 = arith.mulf %parallel_loop3A_149, %parallel_loop3A_179 : vector<16xf32>
        %parallel_loop3A_181 = arith.addf %parallel_loop3A_178, %parallel_loop3A_180 : vector<16xf32>
        %parallel_loop3A_182 = arith.mulf %parallel_loop3A_125, %parallel_loop3A_131 : vector<16xf32>
        %parallel_loop3A_183 = arith.mulf %parallel_loop3A_182, %parallel_loop3A_143 : vector<16xf32>
        %parallel_loop3A_184 = arith.constant 3.000000e+00 : f32
        %parallel_loop3A_185 = vector.broadcast %parallel_loop3A_184 : f32 to vector<16xf32>
        %parallel_loop3A_186 = arith.mulf %parallel_loop3A_185, %parallel_loop3A_181 : vector<16xf32>
        %parallel_loop3A_187 = arith.addf %parallel_loop3A_173, %parallel_loop3A_186 : vector<16xf32>
        %parallel_loop3A_188 = arith.constant 6.000000e+00 : f32
        %parallel_loop3A_189 = vector.broadcast %parallel_loop3A_188 : f32 to vector<16xf32>
        %parallel_loop3A_190 = arith.mulf %parallel_loop3A_189, %parallel_loop3A_183 : vector<16xf32>
        %parallel_loop3A_191 = arith.addf %parallel_loop3A_187, %parallel_loop3A_190 : vector<16xf32>
        %parallel_loop3A_192 = arith.constant 0 : i32
        %parallel_loop3A_193 = arith.index_cast %parallel_loop3A_192 : i32 to index
        %parallel_loop3A_194 = arith.index_cast %parallel_loop3A_85 : i32 to index
        %parallel_loop3A_195 = arith.index_cast %parallel_loop3A_89 : i32 to index
        %parallel_loop3A_196 = tpu.vector_load %arg5[%parallel_loop3A_193, %parallel_loop3A_194, %parallel_loop3A_195] {strides = array<i32>} : memref<4x16x128xf32, #tpu.memory_space<vmem>>, vector<1x1x16xf32>,
        %parallel_loop3A_197 = vector.shape_cast %parallel_loop3A_196 : vector<1x1x16xf32> to vector<16xf32>
        %parallel_loop3A_198 = vector.shape_cast %parallel_loop3A_95 : vector<16xf32> to vector<1x1x16xf32>
        tpu.vector_store %arg5[%parallel_loop3A_193, %parallel_loop3A_194, %parallel_loop3A_195], %parallel_loop3A_198 {strides = array<i32>} : memref<4x16x128xf32, #tpu.memory_space<vmem>>, vector<1x1x16xf32>,
        %parallel_loop3A_199 = arith.constant 1 : i32
        %parallel_loop3A_200 = arith.index_cast %parallel_loop3A_199 : i32 to index
        %parallel_loop3A_201 = arith.index_cast %parallel_loop3A_85 : i32 to index
        %parallel_loop3A_202 = arith.index_cast %parallel_loop3A_89 : i32 to index
        %parallel_loop3A_203 = tpu.vector_load %arg5[%parallel_loop3A_200, %parallel_loop3A_201, %parallel_loop3A_202] {strides = array<i32>} : memref<4x16x128xf32, #tpu.memory_space<vmem>>, vector<1x1x16xf32>,
        %parallel_loop3A_204 = vector.shape_cast %parallel_loop3A_203 : vector<1x1x16xf32> to vector<16xf32>
        %parallel_loop3A_205 = vector.shape_cast %parallel_loop3A_160 : vector<16xf32> to vector<1x1x16xf32>
        tpu.vector_store %arg5[%parallel_loop3A_200, %parallel_loop3A_201, %parallel_loop3A_202], %parallel_loop3A_205 {strides = array<i32>} : memref<4x16x128xf32, #tpu.memory_space<vmem>>, vector<1x1x16xf32>,
        %parallel_loop3A_206 = arith.constant 2 : i32
        %parallel_loop3A_207 = arith.index_cast %parallel_loop3A_206 : i32 to index
        %parallel_loop3A_208 = arith.index_cast %parallel_loop3A_85 : i32 to index
        %parallel_loop3A_209 = arith.index_cast %parallel_loop3A_89 : i32 to index
        %parallel_loop3A_210 = tpu.vector_load %arg5[%parallel_loop3A_207, %parallel_loop3A_208, %parallel_loop3A_209] {strides = array<i32>} : memref<4x16x128xf32, #tpu.memory_space<vmem>>, vector<1x1x16xf32>,
        %parallel_loop3A_211 = vector.shape_cast %parallel_loop3A_210 : vector<1x1x16xf32> to vector<16xf32>
        %parallel_loop3A_212 = vector.shape_cast %parallel_loop3A_168 : vector<16xf32> to vector<1x1x16xf32>
        tpu.vector_store %arg5[%parallel_loop3A_207, %parallel_loop3A_208, %parallel_loop3A_209], %parallel_loop3A_212 {strides = array<i32>} : memref<4x16x128xf32, #tpu.memory_space<vmem>>, vector<1x1x16xf32>,
        %parallel_loop3A_213 = arith.constant 3 : i32
        %parallel_loop3A_214 = arith.index_cast %parallel_loop3A_213 : i32 to index
        %parallel_loop3A_215 = arith.index_cast %parallel_loop3A_85 : i32 to index
        %parallel_loop3A_216 = arith.index_cast %parallel_loop3A_89 : i32 to index
        %parallel_loop3A_217 = tpu.vector_load %arg5[%parallel_loop3A_214, %parallel_loop3A_215, %parallel_loop3A_216] {strides = array<i32>} : memref<4x16x128xf32, #tpu.memory_space<vmem>>, vector<1x1x16xf32>,
        %parallel_loop3A_218 = vector.shape_cast %parallel_loop3A_217 : vector<1x1x16xf32> to vector<16xf32>
        %parallel_loop3A_219 = vector.shape_cast %parallel_loop3A_191 : vector<16xf32> to vector<1x1x16xf32>
        tpu.vector_store %arg5[%parallel_loop3A_214, %parallel_loop3A_215, %parallel_loop3A_216], %parallel_loop3A_219 {strides = array<i32>} : memref<4x16x128xf32, #tpu.memory_space<vmem>>, vector<1x1x16xf32>,
      } {sc.loop_unroll_factor = 2 : i64, sc.parallel_access}
      "tpu.region"() ({
        %run_scoped3A = tpu.sem_alloc : memref<!tpu.dma_semaphore, #tpu.memory_space<semaphore_mem>>
        %dma_start3A = arith.constant 0 : i32
        %dma_start3A_83 = arith.constant 0 : i32
        %dma_start3A_84 = tpu.memref_slice %arg3[%select_n3A_61, %dma_start3A, %dma_start3A_83, %mul3A_78] : memref<1x4x16x10000xf32, #tpu.memory_space<hbm>> -> memref<1x4x16x128xf32, #tpu.memory_space<hbm>>
        %dma_start3A_85 = tpu.memref_squeeze %dma_start3A_84 : memref<1x4x16x128xf32, #tpu.memory_space<hbm>> -> memref<4x16x128xf32, #tpu.memory_space<hbm>>
        %dma_start3A_86 = arith.constant 0 : i32
        %dma_start3A_87 = arith.constant 0 : i32
        %dma_start3A_88 = tpu.memref_slice %arg3[%select_n3A_61, %dma_start3A_86, %dma_start3A_87, %mul3A_78] : memref<1x4x16x10000xf32, #tpu.memory_space<hbm>> -> memref<1x4x16x128xf32, #tpu.memory_space<hbm>>
        %dma_start3A_89 = tpu.memref_squeeze %dma_start3A_88 : memref<1x4x16x128xf32, #tpu.memory_space<hbm>> -> memref<4x16x128xf32, #tpu.memory_space<hbm>>
        tpu.enqueue_dma source(%arg5 : memref<4x16x128xf32, #tpu.memory_space<vmem>>) target(%dma_start3A_89 : memref<4x16x128xf32, #tpu.memory_space<hbm>>) target_semaphore(%run_scoped3A : memref<!tpu.dma_semaphore, #tpu.memory_space<semaphore_mem>>)
        %dma_wait3A = arith.constant 0 : i32
        %dma_wait3A_90 = arith.constant 0 : i32
        %dma_wait3A_91 = tpu.memref_slice %arg3[%select_n3A_61, %dma_wait3A, %dma_wait3A_90, %mul3A_78] : memref<1x4x16x10000xf32, #tpu.memory_space<hbm>> -> memref<1x4x16x128xf32, #tpu.memory_space<hbm>>
        %dma_wait3A_92 = tpu.memref_squeeze %dma_wait3A_91 : memref<1x4x16x128xf32, #tpu.memory_space<hbm>> -> memref<4x16x128xf32, #tpu.memory_space<hbm>>
        %dma_wait3A_93 = arith.constant 0 : i32
        %dma_wait3A_94 = arith.constant 0 : i32
        %dma_wait3A_95 = tpu.memref_slice %arg3[%select_n3A_61, %dma_wait3A_93, %dma_wait3A_94, %mul3A_78] : memref<1x4x16x10000xf32, #tpu.memory_space<hbm>> -> memref<1x4x16x128xf32, #tpu.memory_space<hbm>>
        %dma_wait3A_96 = tpu.memref_squeeze %dma_wait3A_95 : memref<1x4x16x128xf32, #tpu.memory_space<hbm>> -> memref<4x16x128xf32, #tpu.memory_space<hbm>>
        tpu.wait_dma2 semaphore(%run_scoped3A : memref<!tpu.dma_semaphore, #tpu.memory_space<semaphore_mem>>) src(%arg5 : memref<4x16x128xf32, #tpu.memory_space<vmem>>) dst(%dma_wait3A_96 : memref<4x16x128xf32, #tpu.memory_space<hbm>>)
        tpu.yield
      }) : () -> ()
    }
    %lt3A = arith.constant 1 : i32
    %lt3A_32 = arith.cmpi slt, %add3A, %lt3A : i32
    %convert_element_type3A = arith.extui %lt3A_32 : i1 to i32
    %cond3A = arith.constant 0 : i32
    %cond3A_33 = arith.cmpi ne, %convert_element_type3A, %cond3A : i32
    scf.if %cond3A_33 {
      %add3A_34 = arith.constant 5 : i32
      %add3A_35 = arith.addi %add3A_34, %add3A : i32
      "tpu.region"() ({
        %run_scoped3A = tpu.sem_alloc : memref<!tpu.dma_semaphore, #tpu.memory_space<semaphore_mem>>
        %dma_start3A = arith.constant 0 : i32
        %dma_start3A_38 = arith.constant 0 : i32
        %dma_start3A_39 = arith.constant 9984 : i32
        %dma_start3A_40 = tpu.memref_slice %arg2[%add3A_35, %dma_start3A, %dma_start3A_38, %dma_start3A_39] : memref<6x10x16x10000xf32, #tpu.memory_space<hbm>> -> memref<1x10x16x16xf32, #tpu.memory_space<hbm>>
        %dma_start3A_41 = tpu.memref_squeeze %dma_start3A_40 : memref<1x10x16x16xf32, #tpu.memory_space<hbm>> -> memref<10x16x16xf32, #tpu.memory_space<hbm>>
        %dma_start3A_42 = arith.constant 0 : i32
        %dma_start3A_43 = arith.constant 0 : i32
        %dma_start3A_44 = arith.constant 9984 : i32
        %dma_start3A_45 = tpu.memref_slice %arg2[%add3A_35, %dma_start3A_42, %dma_start3A_43, %dma_start3A_44] : memref<6x10x16x10000xf32, #tpu.memory_space<hbm>> -> memref<1x10x16x16xf32, #tpu.memory_space<hbm>>
        %dma_start3A_46 = tpu.memref_squeeze %dma_start3A_45 : memref<1x10x16x16xf32, #tpu.memory_space<hbm>> -> memref<10x16x16xf32, #tpu.memory_space<hbm>>
        tpu.enqueue_dma source(%dma_start3A_46 : memref<10x16x16xf32, #tpu.memory_space<hbm>>) target(%arg6 : memref<10x16x16xf32, #tpu.memory_space<vmem>>) target_semaphore(%run_scoped3A : memref<!tpu.dma_semaphore, #tpu.memory_space<semaphore_mem>>)
        %dma_wait3A = arith.constant 0 : i32
        %dma_wait3A_47 = arith.constant 0 : i32
        %dma_wait3A_48 = arith.constant 9984 : i32
        %dma_wait3A_49 = tpu.memref_slice %arg2[%add3A_35, %dma_wait3A, %dma_wait3A_47, %dma_wait3A_48] : memref<6x10x16x10000xf32, #tpu.memory_space<hbm>> -> memref<1x10x16x16xf32, #tpu.memory_space<hbm>>
        %dma_wait3A_50 = tpu.memref_squeeze %dma_wait3A_49 : memref<1x10x16x16xf32, #tpu.memory_space<hbm>> -> memref<10x16x16xf32, #tpu.memory_space<hbm>>
        %dma_wait3A_51 = arith.constant 0 : i32
        %dma_wait3A_52 = arith.constant 0 : i32
        %dma_wait3A_53 = arith.constant 9984 : i32
        %dma_wait3A_54 = tpu.memref_slice %arg2[%add3A_35, %dma_wait3A_51, %dma_wait3A_52, %dma_wait3A_53] : memref<6x10x16x10000xf32, #tpu.memory_space<hbm>> -> memref<1x10x16x16xf32, #tpu.memory_space<hbm>>
        %dma_wait3A_55 = tpu.memref_squeeze %dma_wait3A_54 : memref<1x10x16x16xf32, #tpu.memory_space<hbm>> -> memref<10x16x16xf32, #tpu.memory_space<hbm>>
        tpu.wait_dma2 semaphore(%run_scoped3A : memref<!tpu.dma_semaphore, #tpu.memory_space<semaphore_mem>>) src(%dma_wait3A_55 : memref<10x16x16xf32, #tpu.memory_space<hbm>>) dst(%arg6 : memref<10x16x16xf32, #tpu.memory_space<vmem>>)
        tpu.yield
      }) : () -> ()
      %parallel_loop3A = arith.constant 0 : i32
      %parallel_loop3A_36 = arith.constant 16 : i32
      %parallel_loop3A_37 = arith.constant 1 : i32
      scf.for %parallel_loop3A_38 = %parallel_loop3A to %parallel_loop3A_36 step %parallel_loop3A_37  : i32 {
        %parallel_loop3A_39 = arith.constant 0 : i32
        %parallel_loop3A_40 = arith.index_cast %parallel_loop3A_39 : i32 to index
        %parallel_loop3A_41 = arith.index_cast %parallel_loop3A_38 : i32 to index
        %parallel_loop3A_42 = arith.constant 0 : index
        %parallel_loop3A_43 = tpu.vector_load %arg6[%parallel_loop3A_40, %parallel_loop3A_41, %parallel_loop3A_42] {strides = array<i32>} : memref<10x16x16xf32, #tpu.memory_space<vmem>>, vector<1x1x16xf32>,
        %parallel_loop3A_44 = vector.shape_cast %parallel_loop3A_43 : vector<1x1x16xf32> to vector<16xf32>
        %parallel_loop3A_45 = arith.constant 1 : i32
        %parallel_loop3A_46 = arith.index_cast %parallel_loop3A_45 : i32 to index
        %parallel_loop3A_47 = arith.index_cast %parallel_loop3A_38 : i32 to index
        %parallel_loop3A_48 = arith.constant 0 : index
        %parallel_loop3A_49 = tpu.vector_load %arg6[%parallel_loop3A_46, %parallel_loop3A_47, %parallel_loop3A_48] {strides = array<i32>} : memref<10x16x16xf32, #tpu.memory_space<vmem>>, vector<1x1x16xf32>,
        %parallel_loop3A_50 = vector.shape_cast %parallel_loop3A_49 : vector<1x1x16xf32> to vector<16xf32>
        %parallel_loop3A_51 = arith.constant 2 : i32
        %parallel_loop3A_52 = arith.index_cast %parallel_loop3A_51 : i32 to index
        %parallel_loop3A_53 = arith.index_cast %parallel_loop3A_38 : i32 to index
        %parallel_loop3A_54 = arith.constant 0 : index
        %parallel_loop3A_55 = tpu.vector_load %arg6[%parallel_loop3A_52, %parallel_loop3A_53, %parallel_loop3A_54] {strides = array<i32>} : memref<10x16x16xf32, #tpu.memory_space<vmem>>, vector<1x1x16xf32>,
        %parallel_loop3A_56 = vector.shape_cast %parallel_loop3A_55 : vector<1x1x16xf32> to vector<16xf32>
        %parallel_loop3A_57 = arith.constant 3 : i32
        %parallel_loop3A_58 = arith.index_cast %parallel_loop3A_57 : i32 to index
        %parallel_loop3A_59 = arith.index_cast %parallel_loop3A_38 : i32 to index
        %parallel_loop3A_60 = arith.constant 0 : index
        %parallel_loop3A_61 = tpu.vector_load %arg6[%parallel_loop3A_58, %parallel_loop3A_59, %parallel_loop3A_60] {strides = array<i32>} : memref<10x16x16xf32, #tpu.memory_space<vmem>>, vector<1x1x16xf32>,
        %parallel_loop3A_62 = vector.shape_cast %parallel_loop3A_61 : vector<1x1x16xf32> to vector<16xf32>
        %parallel_loop3A_63 = arith.constant 4 : i32
        %parallel_loop3A_64 = arith.index_cast %parallel_loop3A_63 : i32 to index
        %parallel_loop3A_65 = arith.index_cast %parallel_loop3A_38 : i32 to index
        %parallel_loop3A_66 = arith.constant 0 : index
        %parallel_loop3A_67 = tpu.vector_load %arg6[%parallel_loop3A_64, %parallel_loop3A_65, %parallel_loop3A_66] {strides = array<i32>} : memref<10x16x16xf32, #tpu.memory_space<vmem>>, vector<1x1x16xf32>,
        %parallel_loop3A_68 = vector.shape_cast %parallel_loop3A_67 : vector<1x1x16xf32> to vector<16xf32>
        %parallel_loop3A_69 = arith.constant 5 : i32
        %parallel_loop3A_70 = arith.index_cast %parallel_loop3A_69 : i32 to index
        %parallel_loop3A_71 = arith.index_cast %parallel_loop3A_38 : i32 to index
        %parallel_loop3A_72 = arith.constant 0 : index
        %parallel_loop3A_73 = tpu.vector_load %arg6[%parallel_loop3A_70, %parallel_loop3A_71, %parallel_loop3A_72] {strides = array<i32>} : memref<10x16x16xf32, #tpu.memory_space<vmem>>, vector<1x1x16xf32>,
        %parallel_loop3A_74 = vector.shape_cast %parallel_loop3A_73 : vector<1x1x16xf32> to vector<16xf32>
        %parallel_loop3A_75 = arith.constant 6 : i32
        %parallel_loop3A_76 = arith.index_cast %parallel_loop3A_75 : i32 to index
        %parallel_loop3A_77 = arith.index_cast %parallel_loop3A_38 : i32 to index
        %parallel_loop3A_78 = arith.constant 0 : index
        %parallel_loop3A_79 = tpu.vector_load %arg6[%parallel_loop3A_76, %parallel_loop3A_77, %parallel_loop3A_78] {strides = array<i32>} : memref<10x16x16xf32, #tpu.memory_space<vmem>>, vector<1x1x16xf32>,
        %parallel_loop3A_80 = vector.shape_cast %parallel_loop3A_79 : vector<1x1x16xf32> to vector<16xf32>
        %parallel_loop3A_81 = arith.constant 7 : i32
        %parallel_loop3A_82 = arith.index_cast %parallel_loop3A_81 : i32 to index
        %parallel_loop3A_83 = arith.index_cast %parallel_loop3A_38 : i32 to index
        %parallel_loop3A_84 = arith.constant 0 : index
        %parallel_loop3A_85 = tpu.vector_load %arg6[%parallel_loop3A_82, %parallel_loop3A_83, %parallel_loop3A_84] {strides = array<i32>} : memref<10x16x16xf32, #tpu.memory_space<vmem>>, vector<1x1x16xf32>,
        %parallel_loop3A_86 = vector.shape_cast %parallel_loop3A_85 : vector<1x1x16xf32> to vector<16xf32>
        %parallel_loop3A_87 = arith.constant 8 : i32
        %parallel_loop3A_88 = arith.index_cast %parallel_loop3A_87 : i32 to index
        %parallel_loop3A_89 = arith.index_cast %parallel_loop3A_38 : i32 to index
        %parallel_loop3A_90 = arith.constant 0 : index
        %parallel_loop3A_91 = tpu.vector_load %arg6[%parallel_loop3A_88, %parallel_loop3A_89, %parallel_loop3A_90] {strides = array<i32>} : memref<10x16x16xf32, #tpu.memory_space<vmem>>, vector<1x1x16xf32>,
        %parallel_loop3A_92 = vector.shape_cast %parallel_loop3A_91 : vector<1x1x16xf32> to vector<16xf32>
        %parallel_loop3A_93 = arith.constant 9 : i32
        %parallel_loop3A_94 = arith.index_cast %parallel_loop3A_93 : i32 to index
        %parallel_loop3A_95 = arith.index_cast %parallel_loop3A_38 : i32 to index
        %parallel_loop3A_96 = arith.constant 0 : index
        %parallel_loop3A_97 = tpu.vector_load %arg6[%parallel_loop3A_94, %parallel_loop3A_95, %parallel_loop3A_96] {strides = array<i32>} : memref<10x16x16xf32, #tpu.memory_space<vmem>>, vector<1x1x16xf32>,
        %parallel_loop3A_98 = vector.shape_cast %parallel_loop3A_97 : vector<1x1x16xf32> to vector<16xf32>
        %parallel_loop3A_99 = arith.mulf %parallel_loop3A_50, %parallel_loop3A_50 : vector<16xf32>
        %parallel_loop3A_100 = arith.mulf %parallel_loop3A_56, %parallel_loop3A_56 : vector<16xf32>
        %parallel_loop3A_101 = arith.mulf %parallel_loop3A_62, %parallel_loop3A_62 : vector<16xf32>
        %parallel_loop3A_102 = arith.mulf %parallel_loop3A_68, %parallel_loop3A_68 : vector<16xf32>
        %parallel_loop3A_103 = arith.mulf %parallel_loop3A_74, %parallel_loop3A_74 : vector<16xf32>
        %parallel_loop3A_104 = arith.mulf %parallel_loop3A_80, %parallel_loop3A_80 : vector<16xf32>
        %parallel_loop3A_105 = arith.mulf %parallel_loop3A_86, %parallel_loop3A_86 : vector<16xf32>
        %parallel_loop3A_106 = arith.mulf %parallel_loop3A_92, %parallel_loop3A_92 : vector<16xf32>
        %parallel_loop3A_107 = arith.mulf %parallel_loop3A_98, %parallel_loop3A_98 : vector<16xf32>
        %parallel_loop3A_108 = arith.addf %parallel_loop3A_99, %parallel_loop3A_100 : vector<16xf32>
        %parallel_loop3A_109 = arith.addf %parallel_loop3A_108, %parallel_loop3A_101 : vector<16xf32>
        %parallel_loop3A_110 = arith.addf %parallel_loop3A_102, %parallel_loop3A_105 : vector<16xf32>
        %parallel_loop3A_111 = arith.addf %parallel_loop3A_110, %parallel_loop3A_107 : vector<16xf32>
        %parallel_loop3A_112 = arith.addf %parallel_loop3A_103, %parallel_loop3A_104 : vector<16xf32>
        %parallel_loop3A_113 = arith.addf %parallel_loop3A_112, %parallel_loop3A_106 : vector<16xf32>
        %parallel_loop3A_114 = arith.constant 2.000000e+00 : f32
        %parallel_loop3A_115 = vector.broadcast %parallel_loop3A_114 : f32 to vector<16xf32>
        %parallel_loop3A_116 = arith.mulf %parallel_loop3A_115, %parallel_loop3A_113 : vector<16xf32>
        %parallel_loop3A_117 = arith.addf %parallel_loop3A_111, %parallel_loop3A_116 : vector<16xf32>
        %parallel_loop3A_118 = arith.mulf %parallel_loop3A_68, %parallel_loop3A_102 : vector<16xf32>
        %parallel_loop3A_119 = arith.mulf %parallel_loop3A_86, %parallel_loop3A_105 : vector<16xf32>
        %parallel_loop3A_120 = arith.addf %parallel_loop3A_118, %parallel_loop3A_119 : vector<16xf32>
        %parallel_loop3A_121 = arith.mulf %parallel_loop3A_98, %parallel_loop3A_107 : vector<16xf32>
        %parallel_loop3A_122 = arith.addf %parallel_loop3A_120, %parallel_loop3A_121 : vector<16xf32>
        %parallel_loop3A_123 = arith.addf %parallel_loop3A_103, %parallel_loop3A_104 : vector<16xf32>
        %parallel_loop3A_124 = arith.mulf %parallel_loop3A_68, %parallel_loop3A_123 : vector<16xf32>
        %parallel_loop3A_125 = arith.addf %parallel_loop3A_103, %parallel_loop3A_106 : vector<16xf32>
        %parallel_loop3A_126 = arith.mulf %parallel_loop3A_86, %parallel_loop3A_125 : vector<16xf32>
        %parallel_loop3A_127 = arith.addf %parallel_loop3A_124, %parallel_loop3A_126 : vector<16xf32>
        %parallel_loop3A_128 = arith.addf %parallel_loop3A_104, %parallel_loop3A_106 : vector<16xf32>
        %parallel_loop3A_129 = arith.mulf %parallel_loop3A_98, %parallel_loop3A_128 : vector<16xf32>
        %parallel_loop3A_130 = arith.addf %parallel_loop3A_127, %parallel_loop3A_129 : vector<16xf32>
        %parallel_loop3A_131 = arith.mulf %parallel_loop3A_74, %parallel_loop3A_80 : vector<16xf32>
        %parallel_loop3A_132 = arith.mulf %parallel_loop3A_131, %parallel_loop3A_92 : vector<16xf32>
        %parallel_loop3A_133 = arith.constant 3.000000e+00 : f32
        %parallel_loop3A_134 = vector.broadcast %parallel_loop3A_133 : f32 to vector<16xf32>
        %parallel_loop3A_135 = arith.mulf %parallel_loop3A_134, %parallel_loop3A_130 : vector<16xf32>
        %parallel_loop3A_136 = arith.addf %parallel_loop3A_122, %parallel_loop3A_135 : vector<16xf32>
        %parallel_loop3A_137 = arith.constant 6.000000e+00 : f32
        %parallel_loop3A_138 = vector.broadcast %parallel_loop3A_137 : f32 to vector<16xf32>
        %parallel_loop3A_139 = arith.mulf %parallel_loop3A_138, %parallel_loop3A_132 : vector<16xf32>
        %parallel_loop3A_140 = arith.addf %parallel_loop3A_136, %parallel_loop3A_139 : vector<16xf32>
        %parallel_loop3A_141 = arith.constant 0 : i32
        %parallel_loop3A_142 = arith.index_cast %parallel_loop3A_141 : i32 to index
        %parallel_loop3A_143 = arith.index_cast %parallel_loop3A_38 : i32 to index
        %parallel_loop3A_144 = arith.constant 0 : index
        %parallel_loop3A_145 = tpu.vector_load %arg7[%parallel_loop3A_142, %parallel_loop3A_143, %parallel_loop3A_144] {strides = array<i32>} : memref<4x16x16xf32, #tpu.memory_space<vmem>>, vector<1x1x16xf32>,
        %parallel_loop3A_146 = vector.shape_cast %parallel_loop3A_145 : vector<1x1x16xf32> to vector<16xf32>
        %parallel_loop3A_147 = vector.shape_cast %parallel_loop3A_44 : vector<16xf32> to vector<1x1x16xf32>
        tpu.vector_store %arg7[%parallel_loop3A_142, %parallel_loop3A_143, %parallel_loop3A_144], %parallel_loop3A_147 {strides = array<i32>} : memref<4x16x16xf32, #tpu.memory_space<vmem>>, vector<1x1x16xf32>,
        %parallel_loop3A_148 = arith.constant 1 : i32
        %parallel_loop3A_149 = arith.index_cast %parallel_loop3A_148 : i32 to index
        %parallel_loop3A_150 = arith.index_cast %parallel_loop3A_38 : i32 to index
        %parallel_loop3A_151 = arith.constant 0 : index
        %parallel_loop3A_152 = tpu.vector_load %arg7[%parallel_loop3A_149, %parallel_loop3A_150, %parallel_loop3A_151] {strides = array<i32>} : memref<4x16x16xf32, #tpu.memory_space<vmem>>, vector<1x1x16xf32>,
        %parallel_loop3A_153 = vector.shape_cast %parallel_loop3A_152 : vector<1x1x16xf32> to vector<16xf32>
        %parallel_loop3A_154 = vector.shape_cast %parallel_loop3A_109 : vector<16xf32> to vector<1x1x16xf32>
        tpu.vector_store %arg7[%parallel_loop3A_149, %parallel_loop3A_150, %parallel_loop3A_151], %parallel_loop3A_154 {strides = array<i32>} : memref<4x16x16xf32, #tpu.memory_space<vmem>>, vector<1x1x16xf32>,
        %parallel_loop3A_155 = arith.constant 2 : i32
        %parallel_loop3A_156 = arith.index_cast %parallel_loop3A_155 : i32 to index
        %parallel_loop3A_157 = arith.index_cast %parallel_loop3A_38 : i32 to index
        %parallel_loop3A_158 = arith.constant 0 : index
        %parallel_loop3A_159 = tpu.vector_load %arg7[%parallel_loop3A_156, %parallel_loop3A_157, %parallel_loop3A_158] {strides = array<i32>} : memref<4x16x16xf32, #tpu.memory_space<vmem>>, vector<1x1x16xf32>,
        %parallel_loop3A_160 = vector.shape_cast %parallel_loop3A_159 : vector<1x1x16xf32> to vector<16xf32>
        %parallel_loop3A_161 = vector.shape_cast %parallel_loop3A_117 : vector<16xf32> to vector<1x1x16xf32>
        tpu.vector_store %arg7[%parallel_loop3A_156, %parallel_loop3A_157, %parallel_loop3A_158], %parallel_loop3A_161 {strides = array<i32>} : memref<4x16x16xf32, #tpu.memory_space<vmem>>, vector<1x1x16xf32>,
        %parallel_loop3A_162 = arith.constant 3 : i32
        %parallel_loop3A_163 = arith.index_cast %parallel_loop3A_162 : i32 to index
        %parallel_loop3A_164 = arith.index_cast %parallel_loop3A_38 : i32 to index
        %parallel_loop3A_165 = arith.constant 0 : index
        %parallel_loop3A_166 = tpu.vector_load %arg7[%parallel_loop3A_163, %parallel_loop3A_164, %parallel_loop3A_165] {strides = array<i32>} : memref<4x16x16xf32, #tpu.memory_space<vmem>>, vector<1x1x16xf32>,
        %parallel_loop3A_167 = vector.shape_cast %parallel_loop3A_166 : vector<1x1x16xf32> to vector<16xf32>
        %parallel_loop3A_168 = vector.shape_cast %parallel_loop3A_140 : vector<16xf32> to vector<1x1x16xf32>
        tpu.vector_store %arg7[%parallel_loop3A_163, %parallel_loop3A_164, %parallel_loop3A_165], %parallel_loop3A_168 {strides = array<i32>} : memref<4x16x16xf32, #tpu.memory_space<vmem>>, vector<1x1x16xf32>,
      } {sc.loop_unroll_factor = 2 : i64, sc.parallel_access}
      "tpu.region"() ({
        %run_scoped3A = tpu.sem_alloc : memref<!tpu.dma_semaphore, #tpu.memory_space<semaphore_mem>>
        %dma_start3A = arith.constant 0 : i32
        %dma_start3A_38 = arith.constant 0 : i32
        %dma_start3A_39 = arith.constant 9984 : i32
        %dma_start3A_40 = tpu.memref_slice %arg3[%add3A, %dma_start3A, %dma_start3A_38, %dma_start3A_39] : memref<1x4x16x10000xf32, #tpu.memory_space<hbm>> -> memref<1x4x16x16xf32, #tpu.memory_space<hbm>>
        %dma_start3A_41 = tpu.memref_squeeze %dma_start3A_40 : memref<1x4x16x16xf32, #tpu.memory_space<hbm>> -> memref<4x16x16xf32, #tpu.memory_space<hbm>>
        %dma_start3A_42 = arith.constant 0 : i32
        %dma_start3A_43 = arith.constant 0 : i32
        %dma_start3A_44 = arith.constant 9984 : i32
        %dma_start3A_45 = tpu.memref_slice %arg3[%add3A, %dma_start3A_42, %dma_start3A_43, %dma_start3A_44] : memref<1x4x16x10000xf32, #tpu.memory_space<hbm>> -> memref<1x4x16x16xf32, #tpu.memory_space<hbm>>
        %dma_start3A_46 = tpu.memref_squeeze %dma_start3A_45 : memref<1x4x16x16xf32, #tpu.memory_space<hbm>> -> memref<4x16x16xf32, #tpu.memory_space<hbm>>
        tpu.enqueue_dma source(%arg7 : memref<4x16x16xf32, #tpu.memory_space<vmem>>) target(%dma_start3A_46 : memref<4x16x16xf32, #tpu.memory_space<hbm>>) target_semaphore(%run_scoped3A : memref<!tpu.dma_semaphore, #tpu.memory_space<semaphore_mem>>)
        %dma_wait3A = arith.constant 0 : i32
        %dma_wait3A_47 = arith.constant 0 : i32
        %dma_wait3A_48 = arith.constant 9984 : i32
        %dma_wait3A_49 = tpu.memref_slice %arg3[%add3A, %dma_wait3A, %dma_wait3A_47, %dma_wait3A_48] : memref<1x4x16x10000xf32, #tpu.memory_space<hbm>> -> memref<1x4x16x16xf32, #tpu.memory_space<hbm>>
        %dma_wait3A_50 = tpu.memref_squeeze %dma_wait3A_49 : memref<1x4x16x16xf32, #tpu.memory_space<hbm>> -> memref<4x16x16xf32, #tpu.memory_space<hbm>>
        %dma_wait3A_51 = arith.constant 0 : i32
        %dma_wait3A_52 = arith.constant 0 : i32
        %dma_wait3A_53 = arith.constant 9984 : i32
        %dma_wait3A_54 = tpu.memref_slice %arg3[%add3A, %dma_wait3A_51, %dma_wait3A_52, %dma_wait3A_53] : memref<1x4x16x10000xf32, #tpu.memory_space<hbm>> -> memref<1x4x16x16xf32, #tpu.memory_space<hbm>>
        %dma_wait3A_55 = tpu.memref_squeeze %dma_wait3A_54 : memref<1x4x16x16xf32, #tpu.memory_space<hbm>> -> memref<4x16x16xf32, #tpu.memory_space<hbm>>
        tpu.wait_dma2 semaphore(%run_scoped3A : memref<!tpu.dma_semaphore, #tpu.memory_space<semaphore_mem>>) src(%arg7 : memref<4x16x16xf32, #tpu.memory_space<vmem>>) dst(%dma_wait3A_55 : memref<4x16x16xf32, #tpu.memory_space<hbm>>)
        tpu.yield
      }) : () -> ()
    } else {
    }
    return
  }
}

module attributes {stable_mosaic.version = 14 : i64} {
  func.func @_tc_body(%arg0: i32, %arg1: memref<5x10x16x1024xf32, #tpu.memory_space<vmem>>, %arg2: memref<5x4x16x1024xf32, #tpu.memory_space<vmem>>) attributes {dimension_semantics = [#tpu.dimension_semantics<arbitrary>], iteration_bounds = array<i64: 10>, scalar_prefetch = 0 : i64, scratch_operands = 0 : i64, tpu.core_type = #tpu.core_type<tc>, window_params = [{transform_indices = @transform_0, window_bounds = array<i64: 5, 10, 16, 1024>}, {transform_indices = @transform_1, window_bounds = array<i64: 5, 4, 16, 1024>}]} {
    %get3A = arith.constant 0 : index
    %get3A_0 = arith.constant 0 : index
    %get3A_1 = arith.constant 0 : index
    %get3A_2 = arith.constant 0 : index
    %get3A_3 = vector.load %arg1[%get3A, %get3A_0, %get3A_1, %get3A_2] : memref<5x10x16x1024xf32, #tpu.memory_space<vmem>>, vector<5x1x16x1024xf32>
    %get3A_4 = vector.shape_cast %get3A_3 : vector<5x1x16x1024xf32> to vector<5x16x1024xf32>
    %get3A_5 = arith.constant 0 : index
    %get3A_6 = arith.constant 1 : index
    %get3A_7 = arith.constant 0 : index
    %get3A_8 = arith.constant 0 : index
    %get3A_9 = vector.load %arg1[%get3A_5, %get3A_6, %get3A_7, %get3A_8] : memref<5x10x16x1024xf32, #tpu.memory_space<vmem>>, vector<5x1x16x1024xf32>
    %get3A_10 = vector.shape_cast %get3A_9 : vector<5x1x16x1024xf32> to vector<5x16x1024xf32>
    %get3A_11 = arith.constant 0 : index
    %get3A_12 = arith.constant 2 : index
    %get3A_13 = arith.constant 0 : index
    %get3A_14 = arith.constant 0 : index
    %get3A_15 = vector.load %arg1[%get3A_11, %get3A_12, %get3A_13, %get3A_14] : memref<5x10x16x1024xf32, #tpu.memory_space<vmem>>, vector<5x1x16x1024xf32>
    %get3A_16 = vector.shape_cast %get3A_15 : vector<5x1x16x1024xf32> to vector<5x16x1024xf32>
    %get3A_17 = arith.constant 0 : index
    %get3A_18 = arith.constant 3 : index
    %get3A_19 = arith.constant 0 : index
    %get3A_20 = arith.constant 0 : index
    %get3A_21 = vector.load %arg1[%get3A_17, %get3A_18, %get3A_19, %get3A_20] : memref<5x10x16x1024xf32, #tpu.memory_space<vmem>>, vector<5x1x16x1024xf32>
    %get3A_22 = vector.shape_cast %get3A_21 : vector<5x1x16x1024xf32> to vector<5x16x1024xf32>
    %get3A_23 = arith.constant 0 : index
    %get3A_24 = arith.constant 4 : index
    %get3A_25 = arith.constant 0 : index
    %get3A_26 = arith.constant 0 : index
    %get3A_27 = vector.load %arg1[%get3A_23, %get3A_24, %get3A_25, %get3A_26] : memref<5x10x16x1024xf32, #tpu.memory_space<vmem>>, vector<5x1x16x1024xf32>
    %get3A_28 = vector.shape_cast %get3A_27 : vector<5x1x16x1024xf32> to vector<5x16x1024xf32>
    %get3A_29 = arith.constant 0 : index
    %get3A_30 = arith.constant 5 : index
    %get3A_31 = arith.constant 0 : index
    %get3A_32 = arith.constant 0 : index
    %get3A_33 = vector.load %arg1[%get3A_29, %get3A_30, %get3A_31, %get3A_32] : memref<5x10x16x1024xf32, #tpu.memory_space<vmem>>, vector<5x1x16x1024xf32>
    %get3A_34 = vector.shape_cast %get3A_33 : vector<5x1x16x1024xf32> to vector<5x16x1024xf32>
    %get3A_35 = arith.constant 0 : index
    %get3A_36 = arith.constant 6 : index
    %get3A_37 = arith.constant 0 : index
    %get3A_38 = arith.constant 0 : index
    %get3A_39 = vector.load %arg1[%get3A_35, %get3A_36, %get3A_37, %get3A_38] : memref<5x10x16x1024xf32, #tpu.memory_space<vmem>>, vector<5x1x16x1024xf32>
    %get3A_40 = vector.shape_cast %get3A_39 : vector<5x1x16x1024xf32> to vector<5x16x1024xf32>
    %get3A_41 = arith.constant 0 : index
    %get3A_42 = arith.constant 7 : index
    %get3A_43 = arith.constant 0 : index
    %get3A_44 = arith.constant 0 : index
    %get3A_45 = vector.load %arg1[%get3A_41, %get3A_42, %get3A_43, %get3A_44] : memref<5x10x16x1024xf32, #tpu.memory_space<vmem>>, vector<5x1x16x1024xf32>
    %get3A_46 = vector.shape_cast %get3A_45 : vector<5x1x16x1024xf32> to vector<5x16x1024xf32>
    %get3A_47 = arith.constant 0 : index
    %get3A_48 = arith.constant 8 : index
    %get3A_49 = arith.constant 0 : index
    %get3A_50 = arith.constant 0 : index
    %get3A_51 = vector.load %arg1[%get3A_47, %get3A_48, %get3A_49, %get3A_50] : memref<5x10x16x1024xf32, #tpu.memory_space<vmem>>, vector<5x1x16x1024xf32>
    %get3A_52 = vector.shape_cast %get3A_51 : vector<5x1x16x1024xf32> to vector<5x16x1024xf32>
    %get3A_53 = arith.constant 0 : index
    %get3A_54 = arith.constant 9 : index
    %get3A_55 = arith.constant 0 : index
    %get3A_56 = arith.constant 0 : index
    %get3A_57 = vector.load %arg1[%get3A_53, %get3A_54, %get3A_55, %get3A_56] : memref<5x10x16x1024xf32, #tpu.memory_space<vmem>>, vector<5x1x16x1024xf32>
    %get3A_58 = vector.shape_cast %get3A_57 : vector<5x1x16x1024xf32> to vector<5x16x1024xf32>
    %mul3A = arith.mulf %get3A_10, %get3A_10 : vector<5x16x1024xf32>
    %mul3A_59 = arith.mulf %get3A_16, %get3A_16 : vector<5x16x1024xf32>
    %mul3A_60 = arith.mulf %get3A_22, %get3A_22 : vector<5x16x1024xf32>
    %mul3A_61 = arith.mulf %get3A_28, %get3A_28 : vector<5x16x1024xf32>
    %mul3A_62 = arith.mulf %get3A_34, %get3A_34 : vector<5x16x1024xf32>
    %mul3A_63 = arith.mulf %get3A_40, %get3A_40 : vector<5x16x1024xf32>
    %mul3A_64 = arith.mulf %get3A_46, %get3A_46 : vector<5x16x1024xf32>
    %mul3A_65 = arith.mulf %get3A_52, %get3A_52 : vector<5x16x1024xf32>
    %mul3A_66 = arith.mulf %get3A_58, %get3A_58 : vector<5x16x1024xf32>
    %add3A = arith.addf %mul3A, %mul3A_59 : vector<5x16x1024xf32>
    %add3A_67 = arith.addf %add3A, %mul3A_60 : vector<5x16x1024xf32>
    %add3A_68 = arith.addf %mul3A_61, %mul3A_64 : vector<5x16x1024xf32>
    %add3A_69 = arith.addf %add3A_68, %mul3A_66 : vector<5x16x1024xf32>
    %add3A_70 = arith.addf %mul3A_62, %mul3A_63 : vector<5x16x1024xf32>
    %add3A_71 = arith.addf %add3A_70, %mul3A_65 : vector<5x16x1024xf32>
    %mul3A_72 = arith.constant 2.000000e+00 : f32
    %mul3A_73 = vector.broadcast %mul3A_72 : f32 to vector<5x16x1024xf32>
    %mul3A_74 = arith.mulf %mul3A_73, %add3A_71 : vector<5x16x1024xf32>
    %add3A_75 = arith.addf %add3A_69, %mul3A_74 : vector<5x16x1024xf32>
    %mul3A_76 = arith.mulf %get3A_28, %mul3A_61 : vector<5x16x1024xf32>
    %mul3A_77 = arith.mulf %get3A_46, %mul3A_64 : vector<5x16x1024xf32>
    %add3A_78 = arith.addf %mul3A_76, %mul3A_77 : vector<5x16x1024xf32>
    %mul3A_79 = arith.mulf %get3A_58, %mul3A_66 : vector<5x16x1024xf32>
    %add3A_80 = arith.addf %add3A_78, %mul3A_79 : vector<5x16x1024xf32>
    %add3A_81 = arith.addf %mul3A_62, %mul3A_63 : vector<5x16x1024xf32>
    %mul3A_82 = arith.mulf %get3A_28, %add3A_81 : vector<5x16x1024xf32>
    %add3A_83 = arith.addf %mul3A_62, %mul3A_65 : vector<5x16x1024xf32>
    %mul3A_84 = arith.mulf %get3A_46, %add3A_83 : vector<5x16x1024xf32>
    %add3A_85 = arith.addf %mul3A_82, %mul3A_84 : vector<5x16x1024xf32>
    %add3A_86 = arith.addf %mul3A_63, %mul3A_65 : vector<5x16x1024xf32>
    %mul3A_87 = arith.mulf %get3A_58, %add3A_86 : vector<5x16x1024xf32>
    %add3A_88 = arith.addf %add3A_85, %mul3A_87 : vector<5x16x1024xf32>
    %mul3A_89 = arith.mulf %get3A_34, %get3A_40 : vector<5x16x1024xf32>
    %mul3A_90 = arith.mulf %mul3A_89, %get3A_52 : vector<5x16x1024xf32>
    %mul3A_91 = arith.constant 3.000000e+00 : f32
    %mul3A_92 = vector.broadcast %mul3A_91 : f32 to vector<5x16x1024xf32>
    %mul3A_93 = arith.mulf %mul3A_92, %add3A_88 : vector<5x16x1024xf32>
    %add3A_94 = arith.addf %add3A_80, %mul3A_93 : vector<5x16x1024xf32>
    %mul3A_95 = arith.constant 6.000000e+00 : f32
    %mul3A_96 = vector.broadcast %mul3A_95 : f32 to vector<5x16x1024xf32>
    %mul3A_97 = arith.mulf %mul3A_96, %mul3A_90 : vector<5x16x1024xf32>
    %add3A_98 = arith.addf %add3A_94, %mul3A_97 : vector<5x16x1024xf32>
    %swap3A = arith.constant 0 : index
    %swap3A_99 = arith.constant 0 : index
    %swap3A_100 = arith.constant 0 : index
    %swap3A_101 = arith.constant 0 : index
    %swap3A_102 = vector.load %arg2[%swap3A, %swap3A_99, %swap3A_100, %swap3A_101] : memref<5x4x16x1024xf32, #tpu.memory_space<vmem>>, vector<5x1x16x1024xf32>
    %swap3A_103 = vector.shape_cast %swap3A_102 : vector<5x1x16x1024xf32> to vector<5x16x1024xf32>
    %swap3A_104 = vector.shape_cast %get3A_4 : vector<5x16x1024xf32> to vector<5x1x16x1024xf32>
    tpu.vector_store %arg2[%swap3A, %swap3A_99, %swap3A_100, %swap3A_101], %swap3A_104 {strides = array<i32>} : memref<5x4x16x1024xf32, #tpu.memory_space<vmem>>, vector<5x1x16x1024xf32>,
    %swap3A_105 = arith.constant 0 : index
    %swap3A_106 = arith.constant 1 : index
    %swap3A_107 = arith.constant 0 : index
    %swap3A_108 = arith.constant 0 : index
    %swap3A_109 = vector.load %arg2[%swap3A_105, %swap3A_106, %swap3A_107, %swap3A_108] : memref<5x4x16x1024xf32, #tpu.memory_space<vmem>>, vector<5x1x16x1024xf32>
    %swap3A_110 = vector.shape_cast %swap3A_109 : vector<5x1x16x1024xf32> to vector<5x16x1024xf32>
    %swap3A_111 = vector.shape_cast %add3A_67 : vector<5x16x1024xf32> to vector<5x1x16x1024xf32>
    tpu.vector_store %arg2[%swap3A_105, %swap3A_106, %swap3A_107, %swap3A_108], %swap3A_111 {strides = array<i32>} : memref<5x4x16x1024xf32, #tpu.memory_space<vmem>>, vector<5x1x16x1024xf32>,
    %swap3A_112 = arith.constant 0 : index
    %swap3A_113 = arith.constant 2 : index
    %swap3A_114 = arith.constant 0 : index
    %swap3A_115 = arith.constant 0 : index
    %swap3A_116 = vector.load %arg2[%swap3A_112, %swap3A_113, %swap3A_114, %swap3A_115] : memref<5x4x16x1024xf32, #tpu.memory_space<vmem>>, vector<5x1x16x1024xf32>
    %swap3A_117 = vector.shape_cast %swap3A_116 : vector<5x1x16x1024xf32> to vector<5x16x1024xf32>
    %swap3A_118 = vector.shape_cast %add3A_75 : vector<5x16x1024xf32> to vector<5x1x16x1024xf32>
    tpu.vector_store %arg2[%swap3A_112, %swap3A_113, %swap3A_114, %swap3A_115], %swap3A_118 {strides = array<i32>} : memref<5x4x16x1024xf32, #tpu.memory_space<vmem>>, vector<5x1x16x1024xf32>,
    %swap3A_119 = arith.constant 0 : index
    %swap3A_120 = arith.constant 3 : index
    %swap3A_121 = arith.constant 0 : index
    %swap3A_122 = arith.constant 0 : index
    %swap3A_123 = vector.load %arg2[%swap3A_119, %swap3A_120, %swap3A_121, %swap3A_122] : memref<5x4x16x1024xf32, #tpu.memory_space<vmem>>, vector<5x1x16x1024xf32>
    %swap3A_124 = vector.shape_cast %swap3A_123 : vector<5x1x16x1024xf32> to vector<5x16x1024xf32>
    %swap3A_125 = vector.shape_cast %add3A_98 : vector<5x16x1024xf32> to vector<5x1x16x1024xf32>
    tpu.vector_store %arg2[%swap3A_119, %swap3A_120, %swap3A_121, %swap3A_122], %swap3A_125 {strides = array<i32>} : memref<5x4x16x1024xf32, #tpu.memory_space<vmem>>, vector<5x1x16x1024xf32>,
    return
  }
  func.func @transform_0(%arg0: i32) -> (i32, i32, i32, i32) {
    %c0_i32 = arith.constant 0 : i32
    %c0_i32_0 = arith.constant 0 : i32
    %c0_i32_1 = arith.constant 0 : i32
    %c0_i32_2 = arith.constant 0 : i32
    return %c0_i32, %c0_i32_0, %c0_i32_1, %arg0 : i32, i32, i32, i32
  }
  func.func @transform_1(%arg0: i32) -> (i32, i32, i32, i32) {
    %c0_i32 = arith.constant 0 : i32
    %c0_i32_0 = arith.constant 0 : i32
    %c0_i32_1 = arith.constant 0 : i32
    %c0_i32_2 = arith.constant 0 : i32
    return %c0_i32, %c0_i32_0, %c0_i32_1, %arg0 : i32, i32, i32, i32
  }
}

</mosaic_0001>

<sc_bundles>
// kernel: kernel.4.cloned.1.call-start
scs
__scs_entry_jumppad:
0x0: {  	(pc) =	sbr.rel $0x88, $3  }
0x1: {  	(tag) =	ssettag $0x0;
	lr =	simm.s32 $0x1  }
0x2: {  	[smem:$0x3FA0] =	sst lr;
	_ =	strace $0xD0000000  }
0x3: {  	_ = 	snop  }
0x4: {  	_ = 	snop  }
0x5: {  	_ = 	snop  }
0x6: {  	_ = 	snop  }
0x7: {  	_ = 	snop  }
__scs_overlays_trampoline_lowered:
0x8: {  	[smem:$0x3FAF] =	sst s0  }
0x9: {  	[smem:$0x3FB0] =	sst s1  }
0xa: {  	[smem:$0x3FB1] =	sst s2  }
0xb: {  	[smem:$0x3FB2] =	sst s3  }
0xc: {  	[smem:$0x3FB3] =	sst s4  }
0xd: {  	[smem:$0x3FB4] =	sst s5  }
0xe: {  	[smem:$0x3FB5] =	sst s6  }
0xf: {  	[smem:$0x3FB6] =	sst s7  }
0x10: {  	[smem:$0x3FB7] =	sst s8  }
0x11: {  	[smem:$0x3FB8] =	sst s9;
	s0 =	simm.s32 @!p0 $0x0  }
0x12: {  	s1 =	sld [smem:$0x3F9E];
	s0 =	simm.s32 @p0 $0x1  }
0x13: {  	[smem:$0x3FB9] =	sst s0;
	s0 =	simm.s32 @!p1 $0x0  }
0x14: {  	s2 =	sld [smem:$0x3F9D];
	s0 =	simm.s32 @p1 $0x1  }
0x15: {  	[smem:$0x3FBA] =	sst s0;
	s0 =	simm.s32 @!p2 $0x0  }
0x16: {  	s3 =	sld [smem:$0x3FDB];
	s0 =	simm.s32 @p2 $0x1  }
0x17: {  	s4 =	simm.s32 $0x1BF5;
	[smem:$0x3FBC] =	sst s0  }
0x18: {  	s0 =	sld [smem:$0x3F9F];
	_ =	swait.ge [sflag:s4], $0x0  }
0x19: {  	s7 =	sld [smem:$0x3FA0]  }
0x1a: {  	s8 =	sadd.s32 $0xFFFFE003, lr  }
0x1b: {  	s9 =	sadd.s32 $0xFFFFFEF7, lr;
	s5 =	simm.s32 $0xFFFFFFFF;
	p2 =	slt.u32 s8, $0xFFFFF086  }
0x1c: {  	p1 =	slt.u32 s9, $0xF7A;
	s5 =	simm.s32 @!p2 $0x0  }
0x1d: {  	s5 =	simm.s32 @p1 $0x1;
	p0 =	seq.s32 s7, s2  }
0x1e: {  	s7 =	smul.u32 @!p0 $0xF7A, s2;
	p2 =	seq.s32 @!p0 s5, $0x0  }
0x1f: {  	s9 =	smul.u32 $0xF7A, s1;
	s8 =	simm.s32 @!p0 $0x1BF5;
	p2 =	por !p2, p0  }
0x20: {  	[sflag:s8] =	ssyncset.s32 @!p0 $0xFFFFF086;
	s6 =	sadd.s32 @!p0 s3, s7;
	s7 =	simm.s32 @!p0 $0x108  }
0x21: {  	s3 =	sadd.s32 s3, s9;
	s6 =	sadd.s32 @!p0 $0x88, s6;
	s7 =	simm.s32 @p2 $0x1082  }
0x22: {  	[simem:s7], [sflag:s8] =	dma.local @!p0 [hbm:s6], $0xF7A  }
0x23: {  	s9 =	sor.u32 $0xD0000000, s2;
	s6 =	simm.s32 $0x108;
	_ =	swait.ge @!p0 [sflag:s8], $0x0  }
0x24: {  	s3 =	sadd.s32 $0x88, s3;
	s6 =	simm.s32 @!p1 $0x1082;
	[sflag:s4] =	ssyncset.s32 $0xFFFFF086  }
0x25: {  	[simem:s6], [sflag:s4] =	dma.local [hbm:s3], $0xF7A  }
0x26: {  	[smem:$0x3FA0] =	sst s1;
	(tag) =	ssettag s2;
	_ =	strace s9  }
0x27: {  	s1 =	sld [smem:$0x3FB0]  }
0x28: {  	s2 =	sld [smem:$0x3FB1]  }
0x29: {  	s4 =	sld [smem:$0x3FB3]  }
0x2a: {  	p0 =	seq.s32 s5, $0x0;
	s5 =	sld [smem:$0x3FB4]  }
0x2b: {  	s6 =	sld [smem:$0x3FB5]  }
0x2c: {  	s7 =	sld [smem:$0x3FB6]  }
0x2d: {  	s3 =	simm.s32 $0x108;
	s8 =	sld [smem:$0x3FB7]  }
0x2e: {  	s3 =	simm.s32 @!p0 $0x1082;
	s9 =	sld [smem:$0x3FB8]  }
0x2f: {  	lr =	sadd.s32 s0, s3;
	s0 =	sld [smem:$0x3FAF]  }
0x30: {  	s3 =	sld [smem:$0x3FB2]  }
0x31: {  	[smem:$0x3FBB] =	sst s10  }
0x32: {  	s10 =	sld [smem:$0x3FB9];
	_ =	sdelay $0x3  }
0x33: {  	p0 =	seq.s32 s10, $0x1;
	s10 =	sld [smem:$0x3FBB];
	_ =	sdelay $0x3  }
0x34: {  	[smem:$0x3FBB] =	sst s10  }
0x35: {  	s10 =	sld [smem:$0x3FBA];
	_ =	sdelay $0x3  }
0x36: {  	p1 =	seq.s32 s10, $0x1;
	s10 =	sld [smem:$0x3FBB];
	_ =	sdelay $0x3  }
0x37: {  	[smem:$0x3FBB] =	sst s10  }
0x38: {  	s10 =	sld [smem:$0x3FBC]  }
0x39: {  	_ = 	snop;
	(pc) =	sbr.ind lr, $3  }
0x3a: {  	_ = 	snop  }
0x3b: {  	_ = 	snop  }
0x3c: {  	p2 =	seq.s32 s10, $0x1;
	s10 =	sld [smem:$0x3FBB]  }
0x3d: {  	_ =	shalt  }
0x3e: {  	_ =	shalt  }
0x3f: {  	_ =	shalt  }
0x40: {  	_ =	shalt  }
0x41: {  	_ =	shalt  }
0x42: {  	_ =	shalt  }
0x43: {  	_ =	shalt  }
0x44: {  	_ =	shalt  }
0x45: {  	_ =	shalt  }
0x46: {  	_ =	shalt  }
0x47: {  	_ =	shalt  }
0x48: {  	_ =	shalt  }
0x49: {  	_ =	shalt  }
0x4a: {  	_ =	shalt  }
0x4b: {  	_ =	shalt  }
0x4c: {  	_ =	shalt  }
0x4d: {  	_ =	shalt  }
0x4e: {  	_ =	shalt  }
0x4f: {  	_ =	shalt  }
0x50: {  	_ =	shalt  }
0x51: {  	_ =	shalt  }
0x52: {  	_ =	shalt  }
0x53: {  	_ =	shalt  }
0x54: {  	_ =	shalt  }
0x55: {  	_ =	shalt  }
0x56: {  	_ =	shalt  }
0x57: {  	_ =	shalt  }
0x58: {  	_ =	shalt  }
0x59: {  	_ =	shalt  }
0x5a: {  	_ =	shalt  }
0x5b: {  	_ =	shalt  }
0x5c: {  	_ =	shalt  }
0x5d: {  	_ =	shalt  }
0x5e: {  	_ =	shalt  }
0x5f: {  	_ =	shalt  }
0x60: {  	_ =	shalt  }
0x61: {  	_ =	shalt  }
0x62: {  	_ =	shalt  }
0x63: {  	_ =	shalt  }
0x64: {  	_ =	shalt  }
0x65: {  	_ =	shalt  }
0x66: {  	_ =	shalt  }
0x67: {  	_ =	shalt  }
0x68: {  	_ =	shalt  }
0x69: {  	_ =	shalt  }
0x6a: {  	_ =	shalt  }
0x6b: {  	_ =	shalt  }
0x6c: {  	_ =	shalt  }
0x6d: {  	_ =	shalt  }
0x6e: {  	_ =	shalt  }
0x6f: {  	_ =	shalt  }
0x70: {  	_ =	shalt  }
0x71: {  	_ =	shalt  }
0x72: {  	_ =	shalt  }
0x73: {  	_ =	shalt  }
0x74: {  	_ =	shalt  }
0x75: {  	_ =	shalt  }
0x76: {  	_ =	shalt  }
0x77: {  	_ =	shalt  }
0x78: {  	_ =	shalt  }
0x79: {  	_ =	shalt  }
0x7a: {  	_ =	shalt  }
0x7b: {  	_ =	shalt  }
0x7c: {  	_ =	shalt  }
0x7d: {  	_ =	shalt  }
0x7e: {  	_ =	shalt  }
0x7f: {  	_ =	shalt  }
0x80: {  	_ =	shalt  }
0x81: {  	_ =	shalt  }
0x82: {  	_ =	shalt  }
0x83: {  	_ =	shalt  }
0x84: {  	_ =	shalt  }
0x85: {  	_ =	shalt  }
0x86: {  	_ =	shalt  }
0x87: {  	_ =	shalt  }
.Lfunc_end0:
.L_simem_size_0:
called_computation_lowered:
.L_overlay_start_0:
0x88: {  	s2 =	sld [smem:$0x3FD9]  }
0x89: {  	s3 =	sld [smem:$0x3FFE];
	_ =	sdelay $0x1  }
0x8a: {  	s1 =	srdreg.scid  }
0x8b: {  	s0 =	sand.u32 $0x1, s1  }
0x8c: {  	s17 =	sshll.u32 s0, $0xA;
	s2 =	sadd.s32 s3, s2  }
0x8d: {  	s2 =	sadd.s32 s2, s17  }
0x8e: {  	[smem:$0x3FC7] =	sst s2  }
0x8f: {  	_ = 	snop  }
0x90: {  	s2 =	sld [smem:$0x3FC9];
	(tm) =	ssettm $0x1  }
0x91: {  	s18 =	sld [smem:$0x3FFB];
	_ =	sdelay $0x3  }
0x92: {  	_ =	strace s18  }
0x93: {  	s3 =	sld [smem:$0x3FFC];
	_ =	sdelay $0x3  }
0x94: {  	_ =	strace s3  }
0x95: {  	s3 =	sld [smem:$0x3FFD];
	_ =	sdelay $0x3  }
0x96: {  	_ =	strace s3  }
0x97: {  	_ =	strace $0x8FFFFFFF  }
0x98: {  	s19 =	sld [smem:$0x3FDB];
	_ =	sdelay $0x1  }
0x99: {  	s4 =	simm.s32 $_scs_section_size  }
0x9a: {  	s5 =	simm.s32 $_size__tile_overlayer_lowered;
	s6 =	simm.s32 $_tile_overlayer_lowered  }
0x9b: {  	s22 =	simm.s32 $0x1BFF;
	s21 =	sshll.u32 s6, $0x1;
	s3 =	sadd.s32 s4, s19  }
0x9c: {  	s7 =	simm.s32 $0x0;
	s20 =	sshll.u32 s5, $0x1;
	s5 =	sadd.s32 s21, s3  }
0x9d: {  	[timem:s7], [sflag:s22] =	dma.local [hbm:s5], s20  }
0x9e: {  	_ =	swait.ge [sflag:s22], s20  }
0x9f: {  	s4 =	ssub.s32 $0x0, s20;
	[sflag:s22] =	ssyncset.done $0x0  }
0xa0: {  	[sflag:s22] =	ssyncadd.s32 s4;
	_ =	sdelay $0x1  }
0xa1: {  	s23 =	simm.s32 $0x1B8B  }
0xa2: {  	_ =	swait.ge [sflag:s23], $0x1  }
0xa3: {  	[sflag:s23] =	ssyncset.done $0x0  }
0xa4: {  	s25 =	simm.s32 $0x1B8E;
	s24 =	sld [smem:$0x3FFE];
	[sflag:s23] =	ssyncadd.s32 $0xFFFFFFFF  }
0xa5: {  	s26 =	simm.s32 $execute0_lowered;
	[smem:$0x3FD2] =	sst s25  }
0xa6: {  	s5 =	sshll.u32 s26, $0x1;
	_ =	strace $0x80000046;
	[dreg:$0x1] =	wrdreg $0xFFFFFFFF  }
0xa7: {  	s28 =	simm.s32 $_size_execute0_lowered;
	s3 =	sadd.s32 s3, s5;
	[dreg:$0x0] =	wrdreg $0x0  }
0xa8: {  	s5 =	sshll.u32 s28, $0x1;
	[dreg:$0x2] =	wrdreg s3  }
0xa9: {  	[dreg:$0x3] =	wrdreg s5  }
0xaa: {  	[dreg:$0x4] =	wrdreg $0xC0  }
0xab: {  	_ =	task [dreg:s7], $0x5FFFF  }
0xac: {  	[dreg:$0x1] =	wrdreg $0xFFFFFFFF  }
0xad: {  	[dreg:$0x0] =	wrdreg $0x60  }
0xae: {  	[dreg:$0x2] =	wrdreg s2  }
0xaf: {  	[dreg:$0x3] =	wrdreg s24  }
0xb0: {  	[dreg:$0x4] =	wrdreg $0x9  }
0xb1: {  	_ =	task.clear_ibuf [dreg:s7], $0x5FFFF;
	_ =	strace $0x90000046  }
0xb2: {  	s29 =	simm.s32 $0x9;
	_ =	strace $0x80000048  }
0xb3: {  	_ =	swait.ge [sflag:s29], $0x1  }
0xb4: {  	[sflag:s29] =	ssyncadd.s32 $0xFFFFFFFF  }
0xb5: {  	_ =	strace $0x90000048  }
0xb6: {  	_ =	sfence  }
0xb7: {  	s30 =	sld [smem:$0x0];
	_ =	sdelay $0x2  }
0xb8: {  	s31 =	sshll.u32 s1, $0xD;
	s1 =	sshrl.u32 s1, $0x2  }
0xb9: {  	s3 =	sand.u32 $0x4000, s31;
	s1 =	sadd.s32 s1, s30  }
0xba: {  	s0 =	sor.u32 s3, s0;
	s1 =	sshll.u32 s1, $0x11  }
0xbb: {  	s0 =	sor.u32 s1, s0  }
0xbc: {  	s0 =	sadd.s32 $0x8F2B, s0  }
0xbd: {  	[sflag:s0] =	ssyncadd.remote.s32 $0x1  }
0xbe: {  	_ =	sfence.sel $0xFFFF  }
0xbf: {  	[dreg:$0x0] =	wrdreg $0xFFFFFFFF;
	(pc) =	sbr.abs _section_cstart, $3  }
0xc0: {  	[dreg:$0x1] =	wrdreg $0xFFFFFFFF  }
0xc1: {  	_ =	task.clear_ibuf [dreg:s7], $0x2FFFF;
	_ =	strace $0x9FFFFFFF  }
0xc2: {  	(tm) =	ssettm $0x7FFFFFFF  }
0xc3: {  	_ =	shalt  }
tec
execute0_lowered:
.L_overlay_start_1:
0x0: {  	(tag) =	ssettag $0x1  }
0x1: {  	s0 =	rddreg [dreg:$0x0]  }
0x2: {  	s7 =	rddreg [dreg:$0x1];
	s2 =	simm.s32 $0x0;
	s4 =	srdreg.scid  }
0x3: {  	s1 =	stileid.u32;
	s10 =	simm.s32 $0x1;
	s11 =	simm.s32 $0x400  }
0x4: {  	s12 =	simm.s32 $0x13C00;
	s13 =	simm.s32 $0x5000;
	[smem:$0x7FF] =	sst s2  }
0x5: {  	s5 =	sand.u32 $0x1, s4;
	s8 =	sshll.u32 s1, $0x1;
	s4 =	sadd.s32 $0x400, s7  }
.Ltmp0:
0x6: {  	s0 =	sadd.s32 $0xF9500, s0;
	s6 =	ssub.s32 $0x2, s5;
	(pc) =	sbr.rel .LBB2_1-.Ltmp0, $4  }
0x7: {  	s30 =	sadd.s32 $0x2B00, s7;
	_ =	strace $0x80000047;
	s9 =	sshrl.u32 s6, $0x1  }
0x8: {  	s5 =	sor.u32 s5, s8;
	[dreg:$0x4] =	wrdreg s0;
	s9 =	ssub.s32 s6, s9  }
0x9: {  	[dreg:$0x5] =	wrdreg s30;
	s8 =	ssub.s32 $0x6D, s5;
	s31 =	smax.u32 s9, $0x1  }
0xa: {  	p0 =	sne.s32 s5, $0x0;
	s8 =	sshrl.u32 s8, $0x5;
	[dreg:$0x6] =	wrdreg s31  }
.LBB2_9:
0xb: {  	s2 =	sadd.s32 $0x1, s2;
	s0 =	rddreg [dreg:$0x6]  }
0xc: {  	p1 =	sne.s32 s2, s0  }
.Ltmp1:
0xd: {  	_ = 	snop;
	(pc) =	sbr.rel @!p1 .LBB2_10-.Ltmp1, $1  }
0xe: {  	_ =	sdelay $0x3  }
.LBB2_1:
0xf: {  	[dreg:$0x3] =	wrdreg s2;
	s15 =	simm.s32 $0x0  }
.LBB2_2:
0x10: {  	s16 =	sshll.u32 s15, $0x5  }
0x11: {  	s16 =	sor.u32 s5, s16  }
0x12: {  	s17 =	smulhi.u32 $0xD20D20D3, s16;
	s18 =	sshra.s32 s16, $0x1F  }
0x13: {  	s18 =	smul.u32 $0xD20D20D3, s18  }
0x14: {  	s17 =	ssub.s32 s17, s16  }
0x15: {  	s17 =	sadd.s32 s18, s17  }
0x16: {  	s17 =	sadd.s32 s16, s17  }
0x17: {  	s30 =	sshrl.u32 s17, $0x1F;
	s17 =	sshra.s32 s17, $0x6  }
0x18: {  	s17 =	sadd.s32 s30, s17  }
0x19: {  	s18 =	smul.u32 $0xFFFFFFB2, s17;
	_ =	sdelay $0x1  }
0x1a: {  	s18 =	sadd.s32 s16, s18  }
0x1b: {  	p1 =	slt.s32 s16, $0x1;
	p2 =	sne.s32 s18, $0x0  }
0x1c: {  	p1 =	por !p1, !p2  }
0x1d: {  	s16 =	simm.s32 $0x1;
	p1 =	por !p1, !p1  }
0x1e: {  	s16 =	simm.s32 @!p1 $0x0  }
0x1f: {  	s17 =	ssub.s32 s17, s16;
	s16 =	sshll.u32 s18, $0xA  }
0x20: {  	p1 =	slt.s32 s18, $0x0;
	s18 =	sadd.s32 $0x13800, s16;
	s19 =	smul.u32 $0x18B000, s17  }
0x21: {  	s16 =	smov.u32 @p1 s18  }
0x22: {  	s18 =	sadd.s32 s19, s16  }
0x23: {  	s18 =	sadd.s32 $0x7B7000, s18  }
0x24: {  	s0 =	rddreg [dreg:$0x0];
	s18 =	sshrl.u32 s18, $0x3  }
0x25: {  	s31 =	simm.s32 $0x0;
	s18 =	sadd.s32 s0, s18  }
0x26: {  	[tilespmem:s31], [sflag:$0x1] =	stream.strided.gather [hbm4b:s18+s11], $0x5000, s12, s11, $0x38;
	[tilespmem:$0xE000] =	vst v63  }
0x27: {  	_ =	swait.ge [sflag:s10], $0x5000  }
0x28: {  	[sflag:s10] =	ssyncset.done $0x0  }
0x29: {  	s20 =	simm.s32 $0x1000;
	[sflag:s10] =	ssyncadd.s32 $0xFFFFB000  }
0x2a: {  	v0 =	vld [tilespmem:s20+$0xFFFFF800]  }
0x2b: {  	s21 =	sand.u32 $0x60, s31;
	v1 =	vld [tilespmem:s20+$0x0]  }
0x2c: {  	s22 =	sor.u32 $0x10, s21;
	s19 =	sand.u32 $0x780, s31;
	v2 =	vld [tilespmem:s20+$0x800]  }
0x2d: {  	s23 =	sor.u32 $0x3000, s19;
	s18 =	sor.u32 s19, s22;
	v14 =	vld [tilespmem:s20+$0xFFFFF000]  }
0x2e: {  	s0 =	sor.u32 s22, s23;
	v3 =	vld [tilespmem:s18+$0x1800]  }
0x2f: {  	v4 =	vld [tilespmem:s0+$0x0]  }
0x30: {  	s1 =	sor.u32 $0x2000, s19;
	v5 =	vld [tilespmem:s18+$0x800]  }
0x31: {  	s24 =	sor.u32 $0x2800, s19;
	s25 =	sor.u32 s22, s1;
	v6 =	vld [tilespmem:s18+$0x1000]  }
0x32: {  	s28 =	sor.u32 $0x4800, s19;
	s26 =	sor.u32 s22, s24;
	v7 =	vld [tilespmem:s25+$0x0]  }
0x33: {  	s3 =	sor.u32 $0x4000, s19;
	s2 =	sor.u32 s22, s28;
	v8 =	vld [tilespmem:s26+$0x0]  }
0x34: {  	s6 =	sor.u32 s22, s3;
	v9 =	vld [tilespmem:s2+$0x0]  }
0x35: {  	s9 =	sor.u32 s21, s28;
	v12 =	vld [tilespmem:s6+$0x0]  }
0x36: {  	s14 =	sor.u32 s21, s23;
	s19 =	sor.u32 $0x3800, s19;
	v22 =	vld [tilespmem:s9+$0x0];
	v10 =	vmul.f32 v0, v0  }
0x37: {  	s7 =	sor.u32 s21, s19;
	s19 =	sor.u32 s22, s19;
	v19 =	vld [tilespmem:s14+$0x0];
	v1 =	vmul.f32 v1, v1;
	v2 =	vmul.f32 v2, v2  }
0x38: {  	s20 =	sor.u32 s21, s1;
	v16 =	vld [tilespmem:s19+$0x0];
	v13 =	vmul.f32 v3, v3;
	v5 =	vmul.f32 v5, v5  }
0x39: {  	v11 =	vld [tilespmem:s20+$0x0];
	s20 =	sor.u32 s21, s24;
	v0 =	vmul.f32 v7, v7;
	v3 =	vmul.f32 v4, v4  }
0x3a: {  	s22 =	simm.s32 $0x1020;
	v21 =	vld [tilespmem:s20+$0x0];
	v17 =	vmul.f32 v8, v8;
	v6 =	vmul.f32 v6, v6  }
0x3b: {  	v31 =	vld [tilespmem:s22+$0xFFFFF800];
	v20 =	vmul.f32 v12, v12;
	v29 =	vmul.f32 v22, v22  }
0x3c: {  	v15 =	vld [tilespmem:s7+$0x0];
	v32 =	vmul.f32 v19, v19;
	v8 =	vmul.f32 v4, v8  }
0x3d: {  	s21 =	sor.u32 s21, s3;
	v10 =	vadd.f32 v1, v10;
	v18 =	vmul.f32 v0, v7;
	v1 =	vmul.f32 v9, v9  }
0x3e: {  	v27 =	vld [tilespmem:s21+$0x0];
	v25 =	vadd.f32 v3, v17;
	v28 =	vadd.f32 v20, v3;
	v3 =	vmul.f32 v16, v16  }
0x3f: {  	s23 =	simm.s32 $0x20;
	v17 =	vadd.f32 v20, v17;
	v34 =	vmul.f32 v29, v22;
	v19 =	vmul.f32 v19, v21  }
0x40: {  	s24 =	sand.u32 $0x780, s23;
	s21 =	sand.u32 $0x60, s23;
	v5 =	vadd.f32 v6, v5;
	v6 =	vmul.f32 v12, v8;
	v8 =	vmul.f32 v31, v31  }
0x41: {  	v33 =	vld [tilespmem:s22+$0x0];
	s0 =	sor.u32 $0x2000, s24;
	s25 =	sor.u32 $0x10, s21;
	v24 =	vadd.f32 v2, v10;
	v2 =	vmul.f32 v11, v11;
	v10 =	vmul.f32 v15, v15  }
0x42: {  	v23 =	vld [tilespmem:s18+$0x0];
	s2 =	sor.u32 s25, s0;
	v26 =	vmul.f32 v1, v9;
	v7 =	vmul.f32 v25, v7  }
0x43: {  	v61 =	vld [tilespmem:s2+$0x0];
	v17 =	vmul.f32 v17, v16;
	v4 =	vmul.f32 v27, v19  }
0x44: {  	s19 =	sor.u32 s24, s25;
	v20 =	vadd.f32 v20, v25;
	v25 =	vld [tilespmem:s22+$0x800];
	v16 =	vmul.f32 v3, v16;
	v27 =	vmul.f32 v27, v27  }
0x45: {  	s30 =	sor.u32 $0x3000, s24;
	v19 =	vld [tilespmem:s19+$0x1800];
	v62 =	vadd.f32 v13, v5;
	v30 =	vmul.f32 v2, v11;
	v2 =	vadd.f32 v10, v2  }
0x46: {  	s31 =	sor.u32 s25, s30;
	v31 =	vld [tilespmem:s19+$0x1000];
	v10 =	vmul.f32 v10, v15;
	v7 =	vadd.f32 v17, v7;
	v17 =	vmul.f32 v33, v33  }
0x47: {  	s1 =	sor.u32 $0x2800, s24;
	v29 =	vadd.f32 v29, v2;
	v2 =	vadd.f32 v20, v20;
	v20 =	vmul.f32 v28, v9;
	v9 =	vld [tilespmem:s31+$0x0]  }
0x48: {  	s23 =	sor.u32 $0x3800, s24;
	s3 =	sor.u32 s25, s1;
	v12 =	vadd.f32 v10, v30;
	v28 =	vld [tilespmem:s19+$0x800];
	v10 =	vmul.f32 $6.000000000e+00, v6;
	v30 =	vmul.f32 v21, v21  }
0x49: {  	s29 =	sor.u32 $0x4800, s24;
	s14 =	sor.u32 s21, s23;
	s23 =	sor.u32 s25, s23;
	v8 =	vadd.f32 v17, v8;
	v17 =	vld [tilespmem:s3+$0x0];
	v7 =	vadd.f32 v7, v20;
	v20 =	vmul.f32 v25, v25  }
0x4a: {  	s6 =	sor.u32 s25, s29;
	v5 =	vmul.f32 v19, v19;
	v19 =	vld [tilespmem:s23+$0x0];
	v6 =	vadd.f32 v34, v12;
	v13 =	vadd.f32 v32, v30  }
0x4b: {  	s7 =	sor.u32 $0x4000, s24;
	s20 =	sor.u32 s21, s0;
	v32 =	vadd.f32 v27, v32;
	v12 =	vmul.f32 v61, v61;
	v37 =	vadd.f32 v20, v8;
	v20 =	vld [tilespmem:s6+$0x0]  }
0x4c: {  	s9 =	sor.u32 s25, s7;
	v25 =	vmul.f32 $3.000000000e+00, v7;
	v7 =	vadd.f32 v16, v18;
	v8 =	vld [tilespmem:s20+$0x0];
	v16 =	vadd.f32 v27, v30  }
0x4d: {  	v18 =	vld [tilespmem:s9+$0x0];
	v30 =	vadd.f32 v27, v13;
	v22 =	vmul.f32 v32, v22;
	v21 =	vmul.f32 v28, v28  }
0x4e: {  	v28 =	vmul.f32 v9, v9;
	v38 =	vmul.f32 v17, v17;
	v26 =	vadd.f32 v26, v7;
	v7 =	vld [tilespmem:s14+$0x0]  }
0x4f: {  	s29 =	sor.u32 s21, s29;
	v35 =	vld [tilespmem:s19+$0x0];
	v15 =	vmul.f32 v16, v15;
	v16 =	vmul.f32 v13, v11  }
0x50: {  	[tilespmem:s18+$0x5000] =	vst v23;
	v11 =	vld [tilespmem:s29+$0x0];
	v13 =	vmul.f32 v12, v61;
	v23 =	vadd.f32 v30, v30;
	v40 =	vadd.f32 v28, v38  }
0x51: {  	v36 =	vld [tilespmem:s22+$0xFFFFF000];
	s22 =	sor.u32 s21, s30;
	[tilespmem:s18+$0x5800] =	vst v62;
	s20 =	simm.s32 $0x6000;
	v27 =	vadd.f32 v25, v26;
	v26 =	vmul.f32 v31, v31;
	v25 =	vmul.f32 v19, v19  }
0x52: {  	s30 =	sor.u32 s21, s1;
	[tilespmem:s20+$0xFFFFF000] =	vst v14;
	v30 =	vld [tilespmem:s22+$0x0];
	v15 =	vadd.f32 v15, v16;
	v14 =	vmul.f32 v8, v8;
	v16 =	vmul.f32 v20, v20  }
0x53: {  	[tilespmem:s20+$0xFFFFF800] =	vst v24;
	v24 =	vld [tilespmem:s30+$0x0];
	v23 =	vadd.f32 v23, v29;
	v39 =	vmul.f32 v18, v18;
	v33 =	vmul.f32 v7, v7  }
0x54: {  	s31 =	sor.u32 s21, s7;
	[tilespmem:s19+$0x5000] =	vst v35;
	v34 =	vmul.f32 v40, v61;
	v29 =	vadd.f32 v15, v22;
	v15 =	vmul.f32 v16, v20  }
0x55: {  	s21 =	simm.s32 $0x6020;
	[tilespmem:s20+$0x0] =	vst v23;
	v23 =	vld [tilespmem:s31+$0x0];
	v35 =	vadd.f32 v39, v28;
	v28 =	vmul.f32 v11, v11;
	v63 =	vadd.f32 v33, v14  }
0x56: {  	[tilespmem:s21+$0xFFFFF000] =	vst v36;
	v32 =	vadd.f32 v39, v38;
	v31 =	vmul.f32 v14, v8;
	v36 =	vadd.f32 v39, v40  }
0x57: {  	s24 =	simm.s32 $0x1040;
	s23 =	simm.s32 $0x40;
	s22 =	simm.s32 $0x2;
	[tilespmem:s21+$0xFFFFF800] =	vst v37;
	v22 =	vmul.f32 v30, v30;
	v14 =	vadd.f32 v28, v63;
	v28 =	vmul.f32 v28, v11  }
.LBB2_3:
0x58: {  	s31 =	sand.u32 $0x60, s23;
	s0 =	sand.u32 $0x780, s23;
	v37 =	vld [tilespmem:s24+$0xFFFFF800];
	s22 =	sadd.s32 $0x2, s22;
	v33 =	vmul.f32 v33, v7;
	v30 =	vmul.f32 v30, v24;
	v36 =	vadd.f32 v36, v36  }
0x59: {  	v20 =	vmul.f32 v35, v20;
	v9 =	vmul.f32 v9, v17;
	v10 =	vadd.f32 v27, v10;
	v38 =	vld [tilespmem:s24+$0x0];
	s28 =	sor.u32 $0x2800, s0;
	s30 =	sor.u32 $0x3000, s0;
	s2 =	sor.u32 $0x10, s31  }
0x5a: {  	v21 =	vadd.f32 v26, v21;
	v26 =	vmul.f32 v32, v19;
	v17 =	vld [tilespmem:s24+$0x800];
	s25 =	sor.u32 s31, s28;
	s26 =	sor.u32 s31, s30;
	s29 =	sor.u32 s0, s2;
	v27 =	vmul.f32 v23, v30  }
0x5b: {  	s14 =	sor.u32 $0x2000, s0;
	s6 =	sor.u32 s2, s28;
	s7 =	sor.u32 s2, s30;
	v18 =	vmul.f32 v18, v9;
	v30 =	vmul.f32 $6.000000000e+00, v4;
	v39 =	vld [tilespmem:s24+$0xFFFFF000];
	[tilespmem:s18+$0x6800] =	vst v10  }
0x5c: {  	s9 =	sor.u32 $0x3800, s0;
	s28 =	sor.u32 $0x4000, s0;
	s3 =	sor.u32 s2, s14;
	v31 =	vadd.f32 v33, v31;
	v10 =	vadd.f32 v26, v34;
	v26 =	vmul.f32 $3.000000000e+00, v29;
	v32 =	vld [tilespmem:s29+$0x0];
	v4 =	vmovc v27  }
0x5d: {  	v19 =	vmul.f32 v25, v19;
	s14 =	sor.u32 s31, s14;
	s30 =	sor.u32 s31, s9;
	v33 =	vadd.f32 v3, v0;
	v0 =	vmovc v12;
	s1 =	sor.u32 s2, s28;
	v27 =	vmul.f32 v37, v37;
	v29 =	vld [tilespmem:s29+$0x1800]  }
0x5e: {  	s0 =	sor.u32 $0x4800, s0;
	v3 =	vmovc v25;
	s28 =	sor.u32 s31, s28;
	v12 =	vadd.f32 v10, v20;
	v10 =	vmul.f32 $6.000000000e+00, v18;
	v18 =	vadd.f32 v26, v6;
	v9 =	vld [tilespmem:s7+$0x0];
	s7 =	sor.u32 s2, s9  }
0x5f: {  	v24 =	vmul.f32 v24, v24;
	p1 =	slt.u32 s22, $0x7E;
	v26 =	vadd.f32 v1, v33;
	v1 =	vmovc v16;
	s9 =	sor.u32 s31, s0;
	v20 =	vmul.f32 v38, v38;
	s0 =	sor.u32 s2, s0;
	v25 =	vld [tilespmem:s29+$0x800]  }
0x60: {  	v6 =	vadd.f32 v28, v31;
	v16 =	vmul.f32 v17, v17;
	v18 =	vadd.f32 v18, v30;
	v33 =	vld [tilespmem:s29+$0x1000]  }
0x61: {  	v20 =	vadd.f32 v20, v27;
	v27 =	vmul.f32 $3.000000000e+00, v12;
	v12 =	vadd.f32 v2, v26;
	v2 =	vmovc v36;
	v34 =	vld [tilespmem:s3+$0x0]  }
0x62: {  	v23 =	vmul.f32 v23, v23;
	v13 =	vadd.f32 v19, v13;
	v26 =	vadd.f32 v5, v21;
	v17 =	vld [tilespmem:s6+$0x0];
	[tilespmem:s20+$0x800] =	vst v18;
	s20 =	smov.u32 s21  }
0x63: {  	v37 =	vadd.f32 v16, v20;
	v5 =	vmul.f32 v29, v29;
	v20 =	vld [tilespmem:s0+$0x0];
	[tilespmem:s18+$0x6000] =	vst v12;
	s18 =	smov.u32 s19;
	s19 =	smov.u32 s29  }
0x64: {  	v19 =	vadd.f32 v23, v24;
	v16 =	vld [tilespmem:s14+$0x0];
	v21 =	vmul.f32 v25, v25;
	v25 =	vadd.f32 v22, v24;
	[tilespmem:s18+$0x5800] =	vst v26  }
0x65: {  	v13 =	vadd.f32 v15, v13;
	v28 =	vmul.f32 v9, v9;
	v22 =	vadd.f32 v23, v22;
	v18 =	vld [tilespmem:s1+$0x0]  }
0x66: {  	v12 =	vmul.f32 v34, v34;
	v15 =	vadd.f32 v23, v25;
	v23 =	vmul.f32 v19, v7;
	v7 =	vld [tilespmem:s30+$0x0]  }
0x67: {  	v27 =	vadd.f32 v27, v13;
	v24 =	vmul.f32 v25, v8;
	v19 =	vld [tilespmem:s7+$0x0];
	v31 =	vmul.f32 v17, v17  }
0x68: {  	v26 =	vmul.f32 v33, v33;
	v25 =	vld [tilespmem:s9+$0x0];
	v13 =	vmul.f32 v12, v34;
	[tilespmem:s19+$0x5000] =	vst v32;
	v15 =	vadd.f32 v15, v15  }
0x69: {  	s21 =	sadd.s32 $0x20, s21;
	v11 =	vmul.f32 v22, v11;
	v23 =	vadd.f32 v23, v24;
	v30 =	vld [tilespmem:s26+$0x0];
	v36 =	vmul.f32 v16, v16;
	v8 =	vmovc v16  }
0x6a: {  	v16 =	vmul.f32 v20, v20;
	v38 =	vmul.f32 v18, v18;
	v14 =	vadd.f32 v15, v14  }
.Ltmp2:
0x6b: {  	v40 =	vadd.f32 v28, v31;
	v29 =	vadd.f32 v23, v11;
	v24 =	vld [tilespmem:s25+$0x0];
	v33 =	vmul.f32 v7, v7;
	(pc) =	sbr.rel @p1 .LBB2_3-.Ltmp2, $4  }
0x6c: {  	v15 =	vmul.f32 v16, v20;
	v32 =	vadd.f32 v38, v31;
	v35 =	vadd.f32 v38, v28;
	[tilespmem:s20+$0x0] =	vst v14  }
0x6d: {  	v31 =	vmul.f32 v36, v8;
	v23 =	vld [tilespmem:s28+$0x0];
	v28 =	vmul.f32 v25, v25;
	v14 =	vadd.f32 v33, v36;
	v11 =	vmovc v25  }
0x6e: {  	v25 =	vmul.f32 v19, v19;
	v36 =	vadd.f32 v38, v40;
	v22 =	vmul.f32 v30, v30;
	[tilespmem:s21+$0xFFFFF000] =	vst v39  }
0x6f: {  	s23 =	sadd.s32 $0x20, s23;
	s24 =	sadd.s32 $0x20, s24;
	v34 =	vmul.f32 v40, v34;
	v14 =	vadd.f32 v28, v14;
	v28 =	vmul.f32 v28, v11;
	[tilespmem:s21+$0xFFFFF800] =	vst v37  }
0x70: {  	v33 =	vmul.f32 v33, v7;
	v30 =	vmul.f32 v30, v24;
	v36 =	vadd.f32 v36, v36  }
0x71: {  	v10 =	vadd.f32 v27, v10;
	v42 =	vmul.f32 v32, v19;
	v21 =	vadd.f32 v26, v21  }
0x72: {  	v43 =	vmul.f32 v24, v24;
	v29 =	vmul.f32 $3.000000000e+00, v29;
	v0 =	vadd.f32 v3, v0  }
0x73: {  	v59 =	vadd.f32 v25, v12;
	v44 =	vmul.f32 v23, v23;
	v45 =	vadd.f32 v33, v31  }
0x74: {  	v50 =	vmul.f32 v25, v19;
	v27 =	vadd.f32 v42, v34;
	v46 =	vadd.f32 v22, v43  }
0x75: {  	v20 =	vmul.f32 v35, v20;
	v6 =	vadd.f32 v29, v6;
	v24 =	vadd.f32 v44, v43  }
0x76: {  	v9 =	vmul.f32 v9, v17;
	v0 =	vadd.f32 v1, v0;
	v54 =	vadd.f32 v50, v13  }
0x77: {  	v48 =	vadd.f32 v44, v22;
	v8 =	vmul.f32 v46, v8;
	v49 =	vmul.f32 v24, v7  }
0x78: {  	v4 =	vmul.f32 $6.000000000e+00, v4;
	v5 =	vadd.f32 v5, v21;
	v47 =	vadd.f32 v27, v20  }
0x79: {  	v51 =	vadd.f32 v28, v45;
	v52 =	vmul.f32 v48, v11;
	v7 =	vadd.f32 v49, v8  }
0x7a: {  	v9 =	vmul.f32 v18, v9;
	v4 =	vadd.f32 v6, v4;
	v55 =	vadd.f32 v44, v46  }
0x7b: {  	v56 =	vadd.f32 v15, v54;
	v3 =	vmul.f32 $3.000000000e+00, v47;
	v7 =	vadd.f32 v7, v52  }
0x7c: {  	v53 =	vmul.f32 v23, v30;
	[tilespmem:s18+$0x6800] =	vst v10;
	v0 =	vadd.f32 v2, v0;
	v57 =	vadd.f32 v55, v55  }
0x7d: {  	v58 =	vmul.f32 $6.000000000e+00, v9;
	[tilespmem:s19+$0x5800] =	vst v5;
	v2 =	vadd.f32 v3, v56;
	v7 =	vmul.f32 $3.000000000e+00, v7  }
0x7e: {  	[tilespmem:s20+$0x800] =	vst v4;
	v60 =	vadd.f32 v57, v14;
	v3 =	vadd.f32 v16, v59  }
0x7f: {  	s0 =	smul.u32 $0x9E000, s17;
	v61 =	vmul.f32 $6.000000000e+00, v53;
	[tilespmem:s18+$0x6000] =	vst v0;
	v2 =	vadd.f32 v2, v58;
	v1 =	vadd.f32 v7, v51  }
0x80: {  	[tilespmem:s21+$0x0] =	vst v60;
	v63 =	vadd.f32 v36, v3  }
0x81: {  	s15 =	sadd.s32 $0x1, s15;
	s0 =	sadd.s32 s16, s0;
	[tilespmem:s19+$0x6800] =	vst v2;
	v62 =	vadd.f32 v1, v61  }
0x82: {  	p1 =	sne.s32 s15, s8;
	s0 =	sshrl.u32 s0, $0x3;
	[tilespmem:s19+$0x6000] =	vst v63  }
.Ltmp3:
0x83: {  	s0 =	sadd.s32 s4, s0;
	[tilespmem:s21+$0x800] =	vst v62;
	(pc) =	sbr.rel @p1 .LBB2_2-.Ltmp3, $4  }
0x84: {  	[hbm4b:s0+s11] =	stream.strided.scatter [tilespmem:s13], [sflag:$0x1], $0x2000, s12, s11, $0x38;
	[tilespmem:$0xE000] =	vst v63  }
0x85: {  	_ =	swait.ge [sflag:s10], $0x2000  }
0x86: {  	[sflag:s10] =	ssyncset.done $0x0  }
0x87: {  	[sflag:s10] =	ssyncadd.s32 $0xFFFFE000  }
.Ltmp4:
0x88: {  	(pc) =	sbr.rel @p0 .LBB2_9-.Ltmp4, $2  }
0x89: {  	_ =	sdelay $0x2  }
0x8a: {  	s2 =	rddreg [dreg:$0x3]  }
0x8b: {  	s17 =	simm.s32 $0x7000;
	s0 =	rddreg [dreg:$0x4]  }
0x8c: {  	[tilespmem:s17], [sflag:$0x1] =	stream.strided.gather [hbm4b:s0+s11], $0x5000, s12, s11, $0x38;
	[tilespmem:$0xE000] =	vst v63  }
0x8d: {  	_ =	swait.ge [sflag:s10], $0x5000  }
0x8e: {  	[sflag:s10] =	ssyncset.done $0x0  }
0x8f: {  	[sflag:s10] =	ssyncadd.s32 $0xFFFFB000  }
0x90: {  	v2 =	vld [tilespmem:s17+$0x2880]  }
0x91: {  	v5 =	vld [tilespmem:s17+$0x3080]  }
0x92: {  	v7 =	vld [tilespmem:s17+$0x4080]  }
0x93: {  	v9 =	vld [tilespmem:s17+$0x2800]  }
0x94: {  	v3 =	vld [tilespmem:s17+$0x2080]  }
0x95: {  	v6 =	vld [tilespmem:s17+$0x3880]  }
0x96: {  	v12 =	vld [tilespmem:s17+$0x3000]  }
0x97: {  	v8 =	vld [tilespmem:s17+$0x4880]  }
0x98: {  	v0 =	vmul.f32 v2, v2;
	v1 =	vmul.f32 v5, v5  }
0x99: {  	v4 =	vmul.f32 v7, v7;
	v10 =	vmul.f32 v9, v9  }
0x9a: {  	v16 =	vld [tilespmem:s17+$0x2000];
	v14 =	vmul.f32 v3, v3;
	v15 =	vmul.f32 v6, v6  }
0x9b: {  	v19 =	vmul.f32 v12, v12;
	v11 =	vadd.f32 v1, v0;
	v13 =	vadd.f32 v4, v0  }
0x9c: {  	v2 =	vmul.f32 v5, v2;
	v0 =	vld [tilespmem:s17+$0x4000];
	v18 =	vadd.f32 v4, v1;
	v1 =	vmul.f32 v8, v8  }
0x9d: {  	v17 =	vmul.f32 v11, v3;
	v13 =	vmul.f32 v13, v6  }
0x9e: {  	v4 =	vadd.f32 v4, v11;
	v11 =	vmul.f32 v14, v3;
	v6 =	vmul.f32 v15, v6  }
0x9f: {  	v20 =	vmul.f32 v16, v16;
	v13 =	vadd.f32 v13, v17;
	v17 =	vmul.f32 v18, v8;
	v18 =	vld [tilespmem:s17+$0x3800]  }
0xa0: {  	v5 =	vld [tilespmem:s17+$0x4800];
	v7 =	vmul.f32 v7, v2;
	v11 =	vadd.f32 v6, v11;
	v8 =	vmul.f32 v1, v8  }
0xa1: {  	v3 =	vadd.f32 v15, v14;
	v14 =	vmul.f32 v0, v0;
	v13 =	vadd.f32 v13, v17  }
0xa2: {  	v2 =	vld [tilespmem:s17+$0x1800];
	v15 =	vadd.f32 v19, v10;
	v23 =	vmul.f32 $6.000000000e+00, v7;
	v8 =	vadd.f32 v8, v11  }
0xa3: {  	v6 =	vld [tilespmem:s17+$0x1000];
	v21 =	vadd.f32 v14, v10;
	v19 =	vadd.f32 v14, v19;
	v11 =	vmul.f32 $3.000000000e+00, v13  }
0xa4: {  	v17 =	vld [tilespmem:s17+$0x800];
	v10 =	vadd.f32 v14, v15;
	v13 =	vmul.f32 v15, v16;
	v22 =	vmul.f32 v18, v18  }
0xa5: {  	v15 =	vmul.f32 v19, v5;
	v19 =	vmul.f32 v12, v9;
	v9 =	vld [tilespmem:s17+$0x0];
	v11 =	vadd.f32 v11, v8  }
0xa6: {  	v21 =	vmul.f32 v21, v18;
	v8 =	vld [tilespmem:s17+$0x80]  }
0xa7: {  	v24 =	vmul.f32 v20, v16;
	v7 =	vld [tilespmem:s17+$0x1880];
	v25 =	vmul.f32 v22, v18;
	v23 =	vadd.f32 v11, v23  }
0xa8: {  	s15 =	simm.s32 $0xD000;
	v14 =	vmul.f32 v5, v5;
	v18 =	vadd.f32 v21, v13;
	v11 =	vld [tilespmem:s17+$0x880]  }
0xa9: {  	s16 =	simm.s32 $0x0;
	v13 =	vld [tilespmem:s17+$0x1080];
	v12 =	vmul.f32 v17, v17;
	v16 =	vadd.f32 v22, v20;
	s17 =	simm.s32 $0x7100;
	v17 =	vadd.f32 v25, v24;
	[tilespmem:s15+$0x880] =	vst v23  }
.LBB2_7:
0xaa: {  	v20 =	vld [tilespmem:s17+$0x2880];
	v5 =	vmul.f32 v14, v5;
	v15 =	vadd.f32 v18, v15;
	v0 =	vmul.f32 v0, v19;
	[tilespmem:s15+$0xFFFFF000] =	vst v9  }
0xab: {  	v6 =	vmul.f32 v6, v6;
	v10 =	vadd.f32 v10, v10;
	v4 =	vadd.f32 v4, v4;
	v9 =	vld [tilespmem:s17+$0x3080];
	[tilespmem:s15+$0xFFFFF080] =	vst v8  }
0xac: {  	s16 =	sadd.s32 $0x2, s16;
	v14 =	vadd.f32 v14, v16;
	v8 =	vld [tilespmem:s17+$0x4080];
	v5 =	vadd.f32 v5, v17;
	v15 =	vmul.f32 $3.000000000e+00, v15  }
0xad: {  	v1 =	vadd.f32 v1, v3;
	p1 =	slt.u32 s16, $0xE;
	v0 =	vmul.f32 $6.000000000e+00, v0;
	v16 =	vld [tilespmem:s17+$0x2800];
	v11 =	vmul.f32 v11, v11  }
0xae: {  	v6 =	vadd.f32 v6, v12;
	v3 =	vld [tilespmem:s17+$0x2080];
	v5 =	vadd.f32 v15, v5;
	v12 =	vmul.f32 v13, v13  }
0xaf: {  	v2 =	vmul.f32 v2, v2;
	v7 =	vmul.f32 v7, v7;
	v10 =	vadd.f32 v10, v14;
	v13 =	vld [tilespmem:s17+$0x3880]  }
0xb0: {  	v14 =	vmul.f32 v20, v20;
	v17 =	vld [tilespmem:s17+$0x3000];
	v5 =	vadd.f32 v5, v0;
	v11 =	vadd.f32 v12, v11  }
0xb1: {  	v1 =	vadd.f32 v4, v1;
	v15 =	vmul.f32 v9, v9;
	v12 =	vld [tilespmem:s17+$0x4880];
	v18 =	vmul.f32 v8, v8;
	[tilespmem:s15+$0x0] =	vst v10  }
0xb2: {  	v2 =	vadd.f32 v2, v6;
	v0 =	vld [tilespmem:s17+$0x4000];
	v10 =	vmul.f32 v16, v16;
	[tilespmem:s15+$0x800] =	vst v5;
	v4 =	vadd.f32 v7, v11  }
0xb3: {  	v6 =	vadd.f32 v15, v14;
	v7 =	vld [tilespmem:s17+$0x2000];
	v11 =	vadd.f32 v18, v14;
	[tilespmem:s15+$0x80] =	vst v1  }
0xb4: {  	v19 =	vmul.f32 v3, v3;
	v14 =	vld [tilespmem:s17+$0x3800];
	v21 =	vmul.f32 v13, v13;
	[tilespmem:s15+$0xFFFFF800] =	vst v2  }
0xb5: {  	v15 =	vadd.f32 v18, v15;
	v2 =	vmul.f32 v6, v3;
	v5 =	vld [tilespmem:s17+$0x4800];
	v11 =	vmul.f32 v11, v13;
	[tilespmem:s15+$0xFFFFF880] =	vst v4  }
0xb6: {  	v4 =	vadd.f32 v18, v6;
	v18 =	vmul.f32 v19, v3;
	v22 =	vld [tilespmem:s17+$0x800];
	v1 =	vmul.f32 v12, v12  }
0xb7: {  	v13 =	vmul.f32 v21, v13;
	v15 =	vmul.f32 v15, v12;
	v6 =	vld [tilespmem:s17+$0x1000];
	v11 =	vadd.f32 v11, v2  }
0xb8: {  	v23 =	vmul.f32 v17, v17;
	v3 =	vadd.f32 v21, v19;
	v19 =	vmul.f32 v9, v20;
	v2 =	vld [tilespmem:s17+$0x1800]  }
0xb9: {  	v13 =	vadd.f32 v13, v18;
	v12 =	vmul.f32 v1, v12;
	v9 =	vld [tilespmem:s17+$0x0];
	v11 =	vadd.f32 v11, v15  }
0xba: {  	v20 =	vmul.f32 v7, v7;
	v18 =	vadd.f32 v23, v10;
	v15 =	vmul.f32 v0, v0  }
0xbb: {  	v8 =	vmul.f32 v8, v19;
	v12 =	vadd.f32 v12, v13;
	v11 =	vmul.f32 $3.000000000e+00, v11  }
0xbc: {  	v13 =	vmul.f32 v18, v7;
	v19 =	vadd.f32 v15, v10;
	v21 =	vadd.f32 v15, v23  }
.Ltmp5:
0xbd: {  	v23 =	vmul.f32 v14, v14;
	v11 =	vadd.f32 v11, v12;
	v12 =	vmul.f32 $6.000000000e+00, v8;
	(pc) =	sbr.rel @p1 .LBB2_7-.Ltmp5, $4  }
0xbe: {  	v10 =	vadd.f32 v15, v18;
	v18 =	vmul.f32 v19, v14;
	v15 =	vmul.f32 v21, v5;
	v8 =	vld [tilespmem:s17+$0x80]  }
0xbf: {  	v21 =	vmul.f32 v20, v7;
	v24 =	vmul.f32 v23, v14;
	v7 =	vld [tilespmem:s17+$0x1880];
	v25 =	vadd.f32 v11, v12  }
0xc0: {  	s15 =	sadd.s32 $0x100, s15;
	v14 =	vmul.f32 v5, v5;
	v19 =	vmul.f32 v17, v16;
	v18 =	vadd.f32 v18, v13;
	v11 =	vld [tilespmem:s17+$0x880]  }
0xc1: {  	v16 =	vadd.f32 v23, v20;
	v12 =	vmul.f32 v22, v22;
	v17 =	vadd.f32 v24, v21;
	v13 =	vld [tilespmem:s17+$0x1080];
	[tilespmem:s15+$0x880] =	vst v25;
	s17 =	sadd.s32 $0x100, s17  }
0xc2: {  	v5 =	vmul.f32 v14, v5;
	v15 =	vadd.f32 v18, v15;
	v0 =	vmul.f32 v0, v19  }
0xc3: {  	v10 =	vadd.f32 v10, v10;
	v6 =	vmul.f32 v6, v6;
	v4 =	vadd.f32 v4, v4  }
0xc4: {  	v1 =	vadd.f32 v1, v3;
	v2 =	vmul.f32 v2, v2;
	v59 =	vadd.f32 v14, v16  }
0xc5: {  	v5 =	vadd.f32 v5, v17;
	v15 =	vmul.f32 $3.000000000e+00, v15;
	v6 =	vadd.f32 v6, v12  }
0xc6: {  	[tilespmem:s15+$0xFFFFF000] =	vst v9;
	v1 =	vadd.f32 v4, v1;
	v11 =	vmul.f32 v11, v11;
	v60 =	vmul.f32 v13, v13  }
0xc7: {  	[tilespmem:s15+$0xFFFFF080] =	vst v8;
	v0 =	vmul.f32 $6.000000000e+00, v0;
	v61 =	vadd.f32 v10, v59;
	v5 =	vadd.f32 v15, v5  }
0xc8: {  	v62 =	vmul.f32 v7, v7;
	v2 =	vadd.f32 v2, v6;
	[tilespmem:s15+$0x80] =	vst v1;
	v3 =	vadd.f32 v60, v11  }
0xc9: {  	[tilespmem:s15+$0x0] =	vst v61;
	v0 =	vadd.f32 v5, v0  }
0xca: {  	[tilespmem:s15+$0xFFFFF800] =	vst v2;
	v63 =	vadd.f32 v62, v3  }
0xcb: {  	[tilespmem:s15+$0x800] =	vst v0  }
0xcc: {  	[tilespmem:s15+$0xFFFFF880] =	vst v63  }
.Ltmp6:
0xcd: {  	s1 =	simm.s32 $0xC000;
	s0 =	rddreg [dreg:$0x5];
	(pc) =	sbr.rel .LBB2_9-.Ltmp6, $4  }
0xce: {  	[hbm4b:s0+s11] =	stream.strided.scatter [tilespmem:s1], [sflag:$0x1], $0x2000, s12, s11, $0x38;
	[tilespmem:$0xE000] =	vst v63  }
0xcf: {  	_ =	swait.ge [sflag:s10], $0x2000  }
0xd0: {  	[sflag:s10] =	ssyncset.done $0x0  }
0xd1: {  	[sflag:s10] =	ssyncadd.s32 $0xFFFFE000  }
.LBB2_10:
0xd2: {  	_ =	sfence.sel $0x180000  }
0xd3: {  	[bflag:$0x0] =	sbarrier.arrive $0xFFFF  }
0xd4: {  	_ =	strace $0x90000047  }
0xd5: {  	s0 =	stileid.u32;
	[bflag:$0x2] =	sbarrier.arrive $0xFFFF  }
0xd6: {  	p0 =	sne.s32 s0, $0x0;
	s0 =	rddreg [dreg:$0x2]  }
0xd7: {  	s0 =	sadd.s32 @!p0 $0x100000, s0  }
0xd8: {  	[sflag:s0] =	ssyncadd.tile.s32 @!p0 $0x1;
	_ =	shalt  }
.Lfunc_end2:
_tile_overlayer_lowered:
.L_overlay_start_2:
0xd9: {  	(tag) =	ssettag $0x2  }
0xda: {  	s0 =	rddreg [dreg:$0x0];
	s2 =	stileid.u32  }
0xdb: {  	s1 =	rddreg [dreg:$0x1];
	p0 =	sne.s32 s2, $0x0  }
0xdc: {  	s3 =	rddreg [dreg:$0x2];
	[bflag:$0x3] =	sbarrier.arrive $0xFFFF;
	s2 =	simm.s32 @!p0 $0x1C01  }
0xdd: {  	[timem:s3], [sflag:s2] =	dma.local @!p0 [hbm:s0], s1  }
0xde: {  	s0 =	simm.s32 @!p0 $0x1  }
0xdf: {  	_ =	swait.ge @!p0 [sflag:s0], s1  }
0xe0: {  	s1 =	ssub.s32 @!p0 $0x0, s1;
	[sflag:s0] =	ssyncset.done @!p0 $0x0  }
0xe1: {  	[sflag:s0] =	ssyncadd.s32 @!p0 s1  }
0xe2: {  	[bflag:$0x3] =	sbarrier.arrive $0xFFFF  }
0xe3: {  	_ =	shalt  }

</sc_bundles>
